<compile_context>
chip_gen: v7x
topology: tpu7x:2x2x1
jax: 0.10.2.dev20260603
libtpu: 0.0.44.dev20260713+nightly
codegen_flags: <defaults>
</compile_context>

<pallas_src>
import dataclasses

import jax
import jax.numpy as jnp
from jax import lax
from jax.experimental import pallas as pl
from jax.experimental.pallas import tpu as pltpu
from jax.experimental.pallas import tpu_sc as plsc

N = 10000
E = 320000
D_IN = 128
D_HID = 128
D_OUT = 64

NC = 2
NS = 16
NW = NC * NS

NPAD = 10240
EPAD = 327680
EPW = EPAD // NW
CH = 128
RPS = NPAD // NS

_mesh = plsc.VectorSubcoreMesh(core_axis_name="c", subcore_axis_name="s")

_sc_params = pltpu.CompilerParams()
if "needs_layout_passes" in pltpu.CompilerParams.__dataclass_fields__:
    _sc_params = dataclasses.replace(_sc_params, needs_layout_passes=False)



def _deg_body(srcp_hbm, dstp_hbm, out_hbm, sidx_v, didx_v, hist_s, hist_d):
    cid = lax.axis_index("c")
    sid = lax.axis_index("s")
    wid = cid * NS + sid
    z16 = jnp.zeros((16,), jnp.float32)
    o16 = jnp.ones((16,), jnp.float32)

    pltpu.sync_copy(srcp_hbm.at[wid], sidx_v)
    pltpu.sync_copy(dstp_hbm.at[wid], didx_v)

    @pl.loop(0, NPAD, step=16)
    def _zero(k):
        hist_s[pl.ds(k, 16)] = z16
        hist_d[pl.ds(k, 16)] = z16

    @pl.loop(0, EPW, step=16)
    def _vec(j):
        plsc.addupdate_scatter(hist_s, [sidx_v[pl.ds(j, 16)]], o16)
        plsc.addupdate_scatter(hist_d, [didx_v[pl.ds(j, 16)]], o16)

    pltpu.sync_copy(hist_s, out_hbm.at[wid, 0])
    pltpu.sync_copy(hist_d, out_hbm.at[wid, 1])


_deg_call = pl.kernel(
    _deg_body,
    out_type=jax.ShapeDtypeStruct((NW, 2, NPAD), jnp.float32),
    mesh=_mesh,
    scratch_types=[
        pltpu.VMEM((EPW,), jnp.int32),
        pltpu.VMEM((EPW,), jnp.int32),
        pltpu.VMEM((NPAD,), jnp.float32),
        pltpu.VMEM((NPAD,), jnp.float32),
    ],
    compiler_params=_sc_params,
)


NCHUNK = EPW // CH
NHALF = 2
NCH = NCHUNK // NHALF


def _edge_body(h_hbm, srcp_hbm, dstp_hbm, out_hbm,
               acc_sh, sidx_v, didx_v, rows0, rows1,
               gsem0, gsem1, ssem0, ssem1):
    cid = lax.axis_index("c")
    sid = lax.axis_index("s")
    wid = cid * NS + sid
    z16 = jnp.zeros((16,), jnp.float32)

    @pl.loop(0, CH)
    def _zr(r):
        @pl.loop(0, D_HID, step=16)
        def _zc(c):
            rows0[r, pl.ds(c, 16)] = z16

    @pl.loop(0, RPS, step=CH)
    def _za(r):
        pltpu.sync_copy(rows0, acc_sh.at[pl.ds(sid * RPS + r, CH)])

    plsc.subcore_barrier()

    for hf in range(NHALF):
        pltpu.sync_copy(srcp_hbm.at[wid, hf], sidx_v)
        pltpu.sync_copy(dstp_hbm.at[wid, hf], didx_v)
        pltpu.async_copy(h_hbm.at[sidx_v.at[0]], rows0, gsem0)
        pltpu.async_copy(h_hbm.at[sidx_v.at[1]], rows1, gsem1)

        @pl.loop(0, NCH, step=2)
        def _chunk(g):
            pltpu.make_async_copy(h_hbm.at[sidx_v.at[g]], rows0, gsem0).wait()
            pltpu.async_copy(rows0, acc_sh.at[didx_v.at[g]], ssem0, add=True)
            pltpu.make_async_copy(h_hbm.at[sidx_v.at[g + 1]], rows1, gsem1).wait()
            pltpu.async_copy(rows1, acc_sh.at[didx_v.at[g + 1]], ssem1, add=True)

            @pl.when(g + 2 < NCH)
            def _n0():
                pltpu.make_async_copy(rows0, acc_sh.at[didx_v.at[g]], ssem0).wait()
                pltpu.async_copy(h_hbm.at[sidx_v.at[g + 2]], rows0, gsem0)

            @pl.when(g + 3 < NCH)
            def _n1():
                pltpu.make_async_copy(rows1, acc_sh.at[didx_v.at[g + 1]], ssem1).wait()
                pltpu.async_copy(h_hbm.at[sidx_v.at[g + 3]], rows1, gsem1)

        pltpu.make_async_copy(rows0, acc_sh.at[didx_v.at[NCH - 2]], ssem0).wait()
        pltpu.make_async_copy(rows1, acc_sh.at[didx_v.at[NCH - 1]], ssem1).wait()

    plsc.subcore_barrier()

    @pl.loop(0, RPS, step=CH)
    def _drain(r):
        rr = sid * RPS + r
        pltpu.sync_copy(acc_sh.at[pl.ds(rr, CH)], out_hbm.at[cid, pl.ds(rr, CH)])


_edge_call = pl.kernel(
    _edge_body,
    out_type=jax.ShapeDtypeStruct((NC, NPAD, D_HID), jnp.float32),
    mesh=_mesh,
    scratch_types=[
        pltpu.VMEM_SHARED((NPAD, D_HID), jnp.float32),
        pltpu.VMEM((NCH, CH), jnp.int32),
        pltpu.VMEM((NCH, CH), jnp.int32),
        pltpu.VMEM((CH, D_HID), jnp.float32),
        pltpu.VMEM((CH, D_HID), jnp.float32),
        pltpu.SemaphoreType.DMA,
        pltpu.SemaphoreType.DMA,
        pltpu.SemaphoreType.DMA,
        pltpu.SemaphoreType.DMA,
    ],
    compiler_params=_sc_params,
)



TBLK = 1024
_PREC = lax.Precision.HIGHEST


def _mm_norm_body(x_ref, w_ref, hist_ref, h1s_ref, ns_ref, nd_ref):
    deg = jnp.sum(hist_ref[...], axis=0)
    norm = jnp.where(deg > 0.0, lax.rsqrt(jnp.maximum(deg, 1.0)), 0.0)
    ns2d = jnp.broadcast_to(norm[0][:, None], (TBLK, D_HID))
    nd2d = jnp.broadcast_to(norm[1][:, None], (TBLK, D_HID))
    ns_ref[...] = ns2d
    nd_ref[...] = nd2d
    xw = jnp.dot(x_ref[...], w_ref[...],
                 preferred_element_type=jnp.float32, precision=_PREC)
    h1s_ref[...] = xw * ns2d


_mm_norm_call = pl.pallas_call(
    _mm_norm_body,
    grid=(NPAD // TBLK,),
    in_specs=[
        pl.BlockSpec((TBLK, D_IN), lambda i: (i, 0)),
        pl.BlockSpec((D_IN, D_HID), lambda i: (0, 0)),
        pl.BlockSpec((NW, 2, TBLK), lambda i: (0, 0, i)),
    ],
    out_specs=[
        pl.BlockSpec((TBLK, D_HID), lambda i: (i, 0)),
        pl.BlockSpec((TBLK, D_HID), lambda i: (i, 0)),
        pl.BlockSpec((TBLK, D_HID), lambda i: (i, 0)),
    ],
    out_shape=[
        jax.ShapeDtypeStruct((NPAD, D_HID), jnp.float32),
        jax.ShapeDtypeStruct((NPAD, D_HID), jnp.float32),
        jax.ShapeDtypeStruct((NPAD, D_HID), jnp.float32),
    ],
)


def _mid_body(p_ref, nd_ref, ns_ref, b_ref, w_ref, o_ref):
    agg = p_ref[0] + p_ref[1]
    h = jnp.maximum(agg * nd_ref[...] + b_ref[...], 0.0)
    o_ref[...] = jnp.dot(h, w_ref[...], preferred_element_type=jnp.float32,
                         precision=_PREC) * ns_ref[...]


_mid_call = pl.pallas_call(
    _mid_body,
    grid=(NPAD // TBLK,),
    in_specs=[
        pl.BlockSpec((NC, TBLK, D_HID), lambda i: (0, i, 0)),
        pl.BlockSpec((TBLK, D_HID), lambda i: (i, 0)),
        pl.BlockSpec((TBLK, D_HID), lambda i: (i, 0)),
        pl.BlockSpec((D_HID,), lambda i: (0,)),
        pl.BlockSpec((D_HID, D_HID), lambda i: (0, 0)),
    ],
    out_specs=pl.BlockSpec((TBLK, D_HID), lambda i: (i, 0)),
    out_shape=jax.ShapeDtypeStruct((NPAD, D_HID), jnp.float32),
)


def _final_body(p_ref, nd_ref, b_ref, wc_ref, bc_ref, o_ref):
    agg = p_ref[0] + p_ref[1]
    h = jnp.maximum(agg * nd_ref[...] + b_ref[...], 0.0)
    o_ref[...] = jnp.dot(h, wc_ref[...], preferred_element_type=jnp.float32,
                         precision=_PREC) + bc_ref[...]


FBLK = 1000


_final_call = pl.pallas_call(
    _final_body,
    grid=(N // FBLK,),
    in_specs=[
        pl.BlockSpec((NC, FBLK, D_HID), lambda i: (0, i, 0)),
        pl.BlockSpec((FBLK, D_HID), lambda i: (i, 0)),
        pl.BlockSpec((D_HID,), lambda i: (0,)),
        pl.BlockSpec((D_HID, D_OUT), lambda i: (0, 0)),
        pl.BlockSpec((D_OUT,), lambda i: (0,)),
    ],
    out_specs=pl.BlockSpec((FBLK, D_OUT), lambda i: (i, 0)),
    out_shape=jax.ShapeDtypeStruct((N, D_OUT), jnp.float32),
)



def kernel(x, edge_index, W1, b1, W2, b2, Wc, bc):
    x_pad = jnp.zeros((NPAD, D_IN), jnp.float32).at[:N].set(x)
    fill = N + (jnp.arange(EPAD - E, dtype=jnp.int32) % (NPAD - N))
    srcp = jnp.concatenate([edge_index[0], fill])
    dstp = jnp.concatenate([edge_index[1], fill])
    srcp2 = srcp.reshape(NW, EPW)
    dstp2 = dstp.reshape(NW, EPW)
    srcp3 = srcp.reshape(NW, NHALF, NCH, CH)
    dstp3 = dstp.reshape(NW, NHALF, NCH, CH)
    hists = _deg_call(srcp2, dstp2)
    h1s, ns2d, nd2d = _mm_norm_call(x_pad, W1, hists)

    p1 = _edge_call(h1s, srcp3, dstp3)
    h2s = _mid_call(p1, nd2d, ns2d, b1, W2)
    p2 = _edge_call(h2s, srcp3, dstp3)
    return _final_call(p2, nd2d, b2, Wc, bc)

# --- scband reference (transcript-rebuilt; emitter-appended) ---
"""Pipeline reference for scband-gcnmodel-72507637891554 (READ-ONLY COPY).

The authoritative reference and input builder live on the scoring server;
editing this copy changes nothing except your own understanding.
"""

import jax, jax.numpy as jnp
import numpy as np

N = 10000
E = 320000
D_IN = 128
D_HID = 128
D_OUT = 64
LAYER_NUM = 2


def setup_inputs(seed: int = 0) -> dict:
    key = jax.random.key(seed)
    ks = jax.random.split(key, 10)
    x = jax.random.normal(ks[0], (N, D_IN), dtype=jnp.float32)
    edge_index = jax.random.randint(ks[1], (2, E), 0, N).astype(jnp.int32)
    # GraphConv layer 0: in=D_IN, out=D_HID (glorot-ish init)
    W1 = jax.random.normal(ks[2], (D_IN, D_HID), dtype=jnp.float32) * (1.0 / np.sqrt(D_IN))
    b1 = jnp.zeros((D_HID,), dtype=jnp.float32)
    # GraphConv layer 1: in=D_HID, out=D_HID
    W2 = jax.random.normal(ks[3], (D_HID, D_HID), dtype=jnp.float32) * (1.0 / np.sqrt(D_HID))
    b2 = jnp.zeros((D_HID,), dtype=jnp.float32)
    # classifier linear
    Wc = jax.random.normal(ks[4], (D_HID, D_OUT), dtype=jnp.float32) * (1.0 / np.sqrt(D_HID))
    bc = jnp.zeros((D_OUT,), dtype=jnp.float32)
    return {"x": x, "edge_index": edge_index, "W1": W1, "b1": b1, "W2": W2, "b2": b2, "Wc": Wc, "bc": bc}


def _graph_conv(x, src, dst, W, b):
    # DGL GraphConv with norm='both': h = D_in^{-1/2} A (D_out^{-1/2} x) W + b
    ones = jnp.ones(src.shape[0], dtype=x.dtype)
    deg_out = jax.ops.segment_sum(ones, src, num_segments=N)
    deg_in = jax.ops.segment_sum(ones, dst, num_segments=N)
    norm_src = jnp.where(deg_out > 0, jax.lax.rsqrt(jnp.maximum(deg_out, 1.0)), 0.0)
    norm_dst = jnp.where(deg_in > 0, jax.lax.rsqrt(jnp.maximum(deg_in, 1.0)), 0.0)
    h = x * norm_src[:, None]
    # apply weight before aggregation (valid since in_dim >= out_dim here; math identical)
    h = h @ W
    msgs = jnp.take(h, src, axis=0)
    agg = jnp.zeros((N, h.shape[1]), dtype=h.dtype).at[dst].add(msgs)
    agg = agg * norm_dst[:, None] + b
    return agg


def reference(x, edge_index, W1, b1, W2, b2, Wc, bc):
    src = edge_index[0]
    dst = edge_index[1]
    h = _graph_conv(x, src, dst, W1, b1)
    h = jax.nn.relu(h)
    # dropout is identity in eval mode
    h = _graph_conv(h, src, dst, W2, b2)
    h = jax.nn.relu(h)
    out = h @ Wc + bc
    return out

if __name__ == "__main__":
    import jax
    _d = setup_inputs()
    print(jax.jit(kernel)(*tuple(_d.values())))

</pallas_src>

<mosaic_0001>
#map = affine_map<(d0, d1) -> (0, 0)>
#map1 = affine_map<(d0, d1) -> (0, 0, 0, 0)>
#map2 = affine_map<(d0, d1) -> (0, 0, 0)>
module attributes {stable_mosaic.version = 14 : i64} {
  func.func @_edge_body(%arg0: i32, %arg1: i32, %arg2: memref<10240x128xf32, #tpu.memory_space<hbm>>, %arg3: memref<32x2x40x128xi32, #tpu.memory_space<hbm>>, %arg4: memref<32x2x40x128xi32, #tpu.memory_space<hbm>>, %arg5: memref<2x10240x128xf32, #tpu.memory_space<hbm>>, %arg6: memref<10240x128xf32, #tpu.memory_space<vmem_shared>>, %arg7: memref<40x128xi32, #tpu.memory_space<vmem>>, %arg8: memref<40x128xi32, #tpu.memory_space<vmem>>, %arg9: memref<128x128xf32, #tpu.memory_space<vmem>>, %arg10: memref<128x128xf32, #tpu.memory_space<vmem>>, %arg11: memref<!tpu.dma_semaphore, #tpu.memory_space<semaphore_mem>>, %arg12: memref<!tpu.dma_semaphore, #tpu.memory_space<semaphore_mem>>, %arg13: memref<!tpu.dma_semaphore, #tpu.memory_space<semaphore_mem>>, %arg14: memref<!tpu.dma_semaphore, #tpu.memory_space<semaphore_mem>>) attributes {dimension_semantics = [#tpu.dimension_semantics<core_parallel>, #tpu.dimension_semantics<subcore_parallel>], iteration_bounds = array<i64: 2, 16>, scalar_prefetch = 0 : i64, scratch_operands = 9 : i64, tpu.core_type = #tpu.core_type<sc_vector_subcore>, window_params = [{transform_indices = #map}, {transform_indices = #map1}, {transform_indices = #map1}, {transform_indices = #map2}]} {
    %mul3A = arith.constant 16 : i32
    %mul3A_0 = arith.muli %arg0, %mul3A : i32
    %add3A = arith.addi %mul3A_0, %arg1 : i32
    %broadcast_in_dim3A = arith.constant 0.000000e+00 : f32
    %broadcast_in_dim3A_1 = vector.broadcast %broadcast_in_dim3A : f32 to vector<16xf32>
    %scan3A = arith.constant 0 : i32
    %scan3A_2 = arith.constant 128 : i32
    %scan3A_3 = arith.addi %scan3A, %scan3A_2 : i32
    %scan3A_4 = arith.constant 1 : i32
    scf.for %scan3A_84 = %scan3A to %scan3A_3 step %scan3A_4  : i32 {
      %mul3A_85 = arith.constant 1 : i32
      %mul3A_86 = arith.muli %scan3A_84, %mul3A_85 : i32
      %add3A_87 = arith.constant 0 : i32
      %add3A_88 = arith.addi %add3A_87, %mul3A_86 : i32
      %scan3A_89 = arith.constant 0 : i32
      %scan3A_90 = arith.constant 8 : i32
      %scan3A_91 = arith.addi %scan3A_89, %scan3A_90 : i32
      %scan3A_92 = arith.constant 1 : i32
      scf.for %scan3A_94 = %scan3A_89 to %scan3A_91 step %scan3A_92  : i32 {
        %mul3A_95 = arith.constant 16 : i32
        %mul3A_96 = arith.muli %scan3A_94, %mul3A_95 : i32
        %add3A_97 = arith.constant 0 : i32
        %add3A_98 = arith.addi %add3A_97, %mul3A_96 : i32
        %swap3A = arith.index_cast %add3A_88 : i32 to index
        %swap3A_99 = arith.index_cast %add3A_98 : i32 to index
        %swap3A_100 = tpu.vector_load %arg9[%swap3A, %swap3A_99] {strides = array<i32>} : memref<128x128xf32, #tpu.memory_space<vmem>>, vector<16xf32>,
        tpu.vector_store %arg9[%swap3A, %swap3A_99], %broadcast_in_dim3A_1 {strides = array<i32>} : memref<128x128xf32, #tpu.memory_space<vmem>>, vector<16xf32>,
      }
      %scan3A_93 = arith.constant 8 : i32
    }
    %scan3A_5 = arith.constant 128 : i32
    %scan3A_6 = arith.constant 0 : i32
    %scan3A_7 = arith.constant 5 : i32
    %scan3A_8 = arith.addi %scan3A_6, %scan3A_7 : i32
    %scan3A_9 = arith.constant 1 : i32
    scf.for %scan3A_84 = %scan3A_6 to %scan3A_8 step %scan3A_9  : i32 {
      %mul3A_85 = arith.constant 128 : i32
      %mul3A_86 = arith.muli %scan3A_84, %mul3A_85 : i32
      %add3A_87 = arith.constant 0 : i32
      %add3A_88 = arith.addi %add3A_87, %mul3A_86 : i32
      %mul3A_89 = arith.constant 640 : i32
      %mul3A_90 = arith.muli %arg1, %mul3A_89 : i32
      %add3A_91 = arith.addi %mul3A_90, %add3A_88 : i32
      "tpu.region"() ({
        %run_scoped3A_92 = tpu.sem_alloc : memref<!tpu.dma_semaphore, #tpu.memory_space<semaphore_mem>>
        %dma_start3A_93 = arith.constant 0 : i32
        %dma_start3A_94 = tpu.memref_slice %arg6[%add3A_91, %dma_start3A_93] : memref<10240x128xf32, #tpu.memory_space<vmem_shared>> -> memref<128x128xf32, #tpu.memory_space<vmem_shared>>
        %dma_start3A_95 = arith.constant 0 : i32
        %dma_start3A_96 = tpu.memref_slice %arg6[%add3A_91, %dma_start3A_95] : memref<10240x128xf32, #tpu.memory_space<vmem_shared>> -> memref<128x128xf32, #tpu.memory_space<vmem_shared>>
        tpu.enqueue_dma source(%arg9 : memref<128x128xf32, #tpu.memory_space<vmem>>) target(%dma_start3A_96 : memref<128x128xf32, #tpu.memory_space<vmem_shared>>) target_semaphore(%run_scoped3A_92 : memref<!tpu.dma_semaphore, #tpu.memory_space<semaphore_mem>>)
        %dma_wait3A_97 = arith.constant 0 : i32
        %dma_wait3A_98 = tpu.memref_slice %arg6[%add3A_91, %dma_wait3A_97] : memref<10240x128xf32, #tpu.memory_space<vmem_shared>> -> memref<128x128xf32, #tpu.memory_space<vmem_shared>>
        %dma_wait3A_99 = arith.constant 0 : i32
        %dma_wait3A_100 = tpu.memref_slice %arg6[%add3A_91, %dma_wait3A_99] : memref<10240x128xf32, #tpu.memory_space<vmem_shared>> -> memref<128x128xf32, #tpu.memory_space<vmem_shared>>
        tpu.wait_dma2 semaphore(%run_scoped3A_92 : memref<!tpu.dma_semaphore, #tpu.memory_space<semaphore_mem>>) src(%arg9 : memref<128x128xf32, #tpu.memory_space<vmem>>) dst(%dma_wait3A_100 : memref<128x128xf32, #tpu.memory_space<vmem_shared>>)
        tpu.yield
      }) : () -> ()
    }
    %scan3A_10 = arith.constant 5 : i32
    %barrier3A = arith.constant 0 : index
    tpu.barrier barrier_id(%barrier3A)
    %run_scoped3A = arith.constant 0 : i32
    "tpu.region"() ({
      %run_scoped3A_84 = tpu.sem_alloc : memref<!tpu.dma_semaphore, #tpu.memory_space<semaphore_mem>>
      %dma_start3A_85 = arith.constant 0 : i32
      %dma_start3A_86 = arith.constant 0 : i32
      %dma_start3A_87 = tpu.memref_slice %arg3[%add3A, %run_scoped3A, %dma_start3A_85, %dma_start3A_86] : memref<32x2x40x128xi32, #tpu.memory_space<hbm>> -> memref<1x1x40x128xi32, #tpu.memory_space<hbm>>
      %dma_start3A_88 = tpu.memref_squeeze %dma_start3A_87 : memref<1x1x40x128xi32, #tpu.memory_space<hbm>> -> memref<40x128xi32, #tpu.memory_space<hbm>>
      %dma_start3A_89 = arith.constant 0 : i32
      %dma_start3A_90 = arith.constant 0 : i32
      %dma_start3A_91 = tpu.memref_slice %arg3[%add3A, %run_scoped3A, %dma_start3A_89, %dma_start3A_90] : memref<32x2x40x128xi32, #tpu.memory_space<hbm>> -> memref<1x1x40x128xi32, #tpu.memory_space<hbm>>
      %dma_start3A_92 = tpu.memref_squeeze %dma_start3A_91 : memref<1x1x40x128xi32, #tpu.memory_space<hbm>> -> memref<40x128xi32, #tpu.memory_space<hbm>>
      tpu.enqueue_dma source(%dma_start3A_92 : memref<40x128xi32, #tpu.memory_space<hbm>>) target(%arg7 : memref<40x128xi32, #tpu.memory_space<vmem>>) target_semaphore(%run_scoped3A_84 : memref<!tpu.dma_semaphore, #tpu.memory_space<semaphore_mem>>)
      %dma_wait3A_93 = arith.constant 0 : i32
      %dma_wait3A_94 = arith.constant 0 : i32
      %dma_wait3A_95 = tpu.memref_slice %arg3[%add3A, %run_scoped3A, %dma_wait3A_93, %dma_wait3A_94] : memref<32x2x40x128xi32, #tpu.memory_space<hbm>> -> memref<1x1x40x128xi32, #tpu.memory_space<hbm>>
      %dma_wait3A_96 = tpu.memref_squeeze %dma_wait3A_95 : memref<1x1x40x128xi32, #tpu.memory_space<hbm>> -> memref<40x128xi32, #tpu.memory_space<hbm>>
      %dma_wait3A_97 = arith.constant 0 : i32
      %dma_wait3A_98 = arith.constant 0 : i32
      %dma_wait3A_99 = tpu.memref_slice %arg3[%add3A, %run_scoped3A, %dma_wait3A_97, %dma_wait3A_98] : memref<32x2x40x128xi32, #tpu.memory_space<hbm>> -> memref<1x1x40x128xi32, #tpu.memory_space<hbm>>
      %dma_wait3A_100 = tpu.memref_squeeze %dma_wait3A_99 : memref<1x1x40x128xi32, #tpu.memory_space<hbm>> -> memref<40x128xi32, #tpu.memory_space<hbm>>
      tpu.wait_dma2 semaphore(%run_scoped3A_84 : memref<!tpu.dma_semaphore, #tpu.memory_space<semaphore_mem>>) src(%dma_wait3A_100 : memref<40x128xi32, #tpu.memory_space<hbm>>) dst(%arg7 : memref<40x128xi32, #tpu.memory_space<vmem>>)
      tpu.yield
    }) : () -> ()
    %run_scoped3A_11 = arith.constant 0 : i32
    "tpu.region"() ({
      %run_scoped3A_84 = tpu.sem_alloc : memref<!tpu.dma_semaphore, #tpu.memory_space<semaphore_mem>>
      %dma_start3A_85 = arith.constant 0 : i32
      %dma_start3A_86 = arith.constant 0 : i32
      %dma_start3A_87 = tpu.memref_slice %arg4[%add3A, %run_scoped3A_11, %dma_start3A_85, %dma_start3A_86] : memref<32x2x40x128xi32, #tpu.memory_space<hbm>> -> memref<1x1x40x128xi32, #tpu.memory_space<hbm>>
      %dma_start3A_88 = tpu.memref_squeeze %dma_start3A_87 : memref<1x1x40x128xi32, #tpu.memory_space<hbm>> -> memref<40x128xi32, #tpu.memory_space<hbm>>
      %dma_start3A_89 = arith.constant 0 : i32
      %dma_start3A_90 = arith.constant 0 : i32
      %dma_start3A_91 = tpu.memref_slice %arg4[%add3A, %run_scoped3A_11, %dma_start3A_89, %dma_start3A_90] : memref<32x2x40x128xi32, #tpu.memory_space<hbm>> -> memref<1x1x40x128xi32, #tpu.memory_space<hbm>>
      %dma_start3A_92 = tpu.memref_squeeze %dma_start3A_91 : memref<1x1x40x128xi32, #tpu.memory_space<hbm>> -> memref<40x128xi32, #tpu.memory_space<hbm>>
      tpu.enqueue_dma source(%dma_start3A_92 : memref<40x128xi32, #tpu.memory_space<hbm>>) target(%arg8 : memref<40x128xi32, #tpu.memory_space<vmem>>) target_semaphore(%run_scoped3A_84 : memref<!tpu.dma_semaphore, #tpu.memory_space<semaphore_mem>>)
      %dma_wait3A_93 = arith.constant 0 : i32
      %dma_wait3A_94 = arith.constant 0 : i32
      %dma_wait3A_95 = tpu.memref_slice %arg4[%add3A, %run_scoped3A_11, %dma_wait3A_93, %dma_wait3A_94] : memref<32x2x40x128xi32, #tpu.memory_space<hbm>> -> memref<1x1x40x128xi32, #tpu.memory_space<hbm>>
      %dma_wait3A_96 = tpu.memref_squeeze %dma_wait3A_95 : memref<1x1x40x128xi32, #tpu.memory_space<hbm>> -> memref<40x128xi32, #tpu.memory_space<hbm>>
      %dma_wait3A_97 = arith.constant 0 : i32
      %dma_wait3A_98 = arith.constant 0 : i32
      %dma_wait3A_99 = tpu.memref_slice %arg4[%add3A, %run_scoped3A_11, %dma_wait3A_97, %dma_wait3A_98] : memref<32x2x40x128xi32, #tpu.memory_space<hbm>> -> memref<1x1x40x128xi32, #tpu.memory_space<hbm>>
      %dma_wait3A_100 = tpu.memref_squeeze %dma_wait3A_99 : memref<1x1x40x128xi32, #tpu.memory_space<hbm>> -> memref<40x128xi32, #tpu.memory_space<hbm>>
      tpu.wait_dma2 semaphore(%run_scoped3A_84 : memref<!tpu.dma_semaphore, #tpu.memory_space<semaphore_mem>>) src(%dma_wait3A_100 : memref<40x128xi32, #tpu.memory_space<hbm>>) dst(%arg8 : memref<40x128xi32, #tpu.memory_space<vmem>>)
      tpu.yield
    }) : () -> ()
    %dma_start3A = arith.constant 0 : i32
    %dma_start3A_12 = arith.constant 0 : i32
    %dma_start3A_13 = tpu.memref_slice %arg7[%dma_start3A, %dma_start3A_12] : memref<40x128xi32, #tpu.memory_space<vmem>> -> memref<1x128xi32, #tpu.memory_space<vmem>>
    %dma_start3A_14 = tpu.memref_squeeze %dma_start3A_13 : memref<1x128xi32, #tpu.memory_space<vmem>> -> memref<128xi32, #tpu.memory_space<vmem>>
    %dma_start3A_15 = arith.constant 0 : i32
    %dma_start3A_16 = arith.constant 0 : i32
    %dma_start3A_17 = tpu.memref_slice %arg2[%dma_start3A_15, %dma_start3A_16] : memref<10240x128xf32, #tpu.memory_space<hbm>> -> memref<10240x128xf32, #tpu.memory_space<hbm>>
    tpu.enqueue_indirect_dma source(%dma_start3A_17 : memref<10240x128xf32, #tpu.memory_space<hbm>>) target(%arg9 : memref<128x128xf32, #tpu.memory_space<vmem>>) offsets(%dma_start3A_14 : memref<128xi32, #tpu.memory_space<vmem>>) semaphore(%arg11 : memref<!tpu.dma_semaphore, #tpu.memory_space<semaphore_mem>>)
    %dma_start3A_18 = arith.constant 1 : i32
    %dma_start3A_19 = arith.constant 0 : i32
    %dma_start3A_20 = tpu.memref_slice %arg7[%dma_start3A_18, %dma_start3A_19] : memref<40x128xi32, #tpu.memory_space<vmem>> -> memref<1x128xi32, #tpu.memory_space<vmem>>
    %dma_start3A_21 = tpu.memref_squeeze %dma_start3A_20 : memref<1x128xi32, #tpu.memory_space<vmem>> -> memref<128xi32, #tpu.memory_space<vmem>>
    %dma_start3A_22 = arith.constant 0 : i32
    %dma_start3A_23 = arith.constant 0 : i32
    %dma_start3A_24 = tpu.memref_slice %arg2[%dma_start3A_22, %dma_start3A_23] : memref<10240x128xf32, #tpu.memory_space<hbm>> -> memref<10240x128xf32, #tpu.memory_space<hbm>>
    tpu.enqueue_indirect_dma source(%dma_start3A_24 : memref<10240x128xf32, #tpu.memory_space<hbm>>) target(%arg10 : memref<128x128xf32, #tpu.memory_space<vmem>>) offsets(%dma_start3A_21 : memref<128xi32, #tpu.memory_space<vmem>>) semaphore(%arg12 : memref<!tpu.dma_semaphore, #tpu.memory_space<semaphore_mem>>)
    %scan3A_25 = arith.constant 0 : i32
    %scan3A_26 = arith.constant 20 : i32
    %scan3A_27 = arith.addi %scan3A_25, %scan3A_26 : i32
    %scan3A_28 = arith.constant 1 : i32
    scf.for %scan3A_84 = %scan3A_25 to %scan3A_27 step %scan3A_28  : i32 {
      %mul3A_85 = arith.constant 2 : i32
      %mul3A_86 = arith.muli %scan3A_84, %mul3A_85 : i32
      %add3A_87 = arith.constant 0 : i32
      %add3A_88 = arith.addi %add3A_87, %mul3A_86 : i32
      %dma_wait3A_89 = arith.constant 0 : i32
      %dma_wait3A_90 = tpu.memref_slice %arg7[%add3A_88, %dma_wait3A_89] : memref<40x128xi32, #tpu.memory_space<vmem>> -> memref<1x128xi32, #tpu.memory_space<vmem>>
      %dma_wait3A_91 = tpu.memref_squeeze %dma_wait3A_90 : memref<1x128xi32, #tpu.memory_space<vmem>> -> memref<128xi32, #tpu.memory_space<vmem>>
      %dma_wait3A_92 = arith.constant 0 : i32
      %dma_wait3A_93 = arith.constant 0 : i32
      %dma_wait3A_94 = tpu.memref_slice %arg2[%dma_wait3A_92, %dma_wait3A_93] : memref<10240x128xf32, #tpu.memory_space<hbm>> -> memref<10240x128xf32, #tpu.memory_space<hbm>>
      tpu.wait_indirect_dma semaphore(%arg11 : memref<!tpu.dma_semaphore, #tpu.memory_space<semaphore_mem>>) src(%dma_wait3A_94 : memref<10240x128xf32, #tpu.memory_space<hbm>>) dst(%arg9 : memref<128x128xf32, #tpu.memory_space<vmem>>)
      %dma_start3A_95 = arith.constant 0 : i32
      %dma_start3A_96 = tpu.memref_slice %arg8[%add3A_88, %dma_start3A_95] : memref<40x128xi32, #tpu.memory_space<vmem>> -> memref<1x128xi32, #tpu.memory_space<vmem>>
      %dma_start3A_97 = tpu.memref_squeeze %dma_start3A_96 : memref<1x128xi32, #tpu.memory_space<vmem>> -> memref<128xi32, #tpu.memory_space<vmem>>
      %dma_start3A_98 = arith.constant 0 : i32
      %dma_start3A_99 = arith.constant 0 : i32
      %dma_start3A_100 = tpu.memref_slice %arg6[%dma_start3A_98, %dma_start3A_99] : memref<10240x128xf32, #tpu.memory_space<vmem_shared>> -> memref<10240x128xf32, #tpu.memory_space<vmem_shared>>
      tpu.enqueue_indirect_dma source(%arg9 : memref<128x128xf32, #tpu.memory_space<vmem>>) target(%dma_start3A_100 : memref<10240x128xf32, #tpu.memory_space<vmem_shared>>) offsets(%dma_start3A_97 : memref<128xi32, #tpu.memory_space<vmem>>) semaphore(%arg13 : memref<!tpu.dma_semaphore, #tpu.memory_space<semaphore_mem>>) {add = true}
      %add3A_101 = arith.constant 1 : i32
      %add3A_102 = arith.addi %add3A_88, %add3A_101 : i32
      %dma_wait3A_103 = arith.constant 0 : i32
      %dma_wait3A_104 = tpu.memref_slice %arg7[%add3A_102, %dma_wait3A_103] : memref<40x128xi32, #tpu.memory_space<vmem>> -> memref<1x128xi32, #tpu.memory_space<vmem>>
      %dma_wait3A_105 = tpu.memref_squeeze %dma_wait3A_104 : memref<1x128xi32, #tpu.memory_space<vmem>> -> memref<128xi32, #tpu.memory_space<vmem>>
      %dma_wait3A_106 = arith.constant 0 : i32
      %dma_wait3A_107 = arith.constant 0 : i32
      %dma_wait3A_108 = tpu.memref_slice %arg2[%dma_wait3A_106, %dma_wait3A_107] : memref<10240x128xf32, #tpu.memory_space<hbm>> -> memref<10240x128xf32, #tpu.memory_space<hbm>>
      tpu.wait_indirect_dma semaphore(%arg12 : memref<!tpu.dma_semaphore, #tpu.memory_space<semaphore_mem>>) src(%dma_wait3A_108 : memref<10240x128xf32, #tpu.memory_space<hbm>>) dst(%arg10 : memref<128x128xf32, #tpu.memory_space<vmem>>)
      %add3A_109 = arith.constant 1 : i32
      %add3A_110 = arith.addi %add3A_88, %add3A_109 : i32
      %dma_start3A_111 = arith.constant 0 : i32
      %dma_start3A_112 = tpu.memref_slice %arg8[%add3A_110, %dma_start3A_111] : memref<40x128xi32, #tpu.memory_space<vmem>> -> memref<1x128xi32, #tpu.memory_space<vmem>>
      %dma_start3A_113 = tpu.memref_squeeze %dma_start3A_112 : memref<1x128xi32, #tpu.memory_space<vmem>> -> memref<128xi32, #tpu.memory_space<vmem>>
      %dma_start3A_114 = arith.constant 0 : i32
      %dma_start3A_115 = arith.constant 0 : i32
      %dma_start3A_116 = tpu.memref_slice %arg6[%dma_start3A_114, %dma_start3A_115] : memref<10240x128xf32, #tpu.memory_space<vmem_shared>> -> memref<10240x128xf32, #tpu.memory_space<vmem_shared>>
      tpu.enqueue_indirect_dma source(%arg10 : memref<128x128xf32, #tpu.memory_space<vmem>>) target(%dma_start3A_116 : memref<10240x128xf32, #tpu.memory_space<vmem_shared>>) offsets(%dma_start3A_113 : memref<128xi32, #tpu.memory_space<vmem>>) semaphore(%arg14 : memref<!tpu.dma_semaphore, #tpu.memory_space<semaphore_mem>>) {add = true}
      %add3A_117 = arith.constant 2 : i32
      %add3A_118 = arith.addi %add3A_88, %add3A_117 : i32
      %lt3A = arith.constant 40 : i32
      %lt3A_119 = arith.cmpi slt, %add3A_118, %lt3A : i32
      %convert_element_type3A = arith.extui %lt3A_119 : i1 to i32
      %cond3A = arith.constant 0 : i32
      %cond3A_120 = arith.cmpi ne, %convert_element_type3A, %cond3A : i32
      scf.if %cond3A_120 {
        %dma_wait3A_128 = arith.constant 0 : i32
        %dma_wait3A_129 = tpu.memref_slice %arg8[%add3A_88, %dma_wait3A_128] : memref<40x128xi32, #tpu.memory_space<vmem>> -> memref<1x128xi32, #tpu.memory_space<vmem>>
        %dma_wait3A_130 = tpu.memref_squeeze %dma_wait3A_129 : memref<1x128xi32, #tpu.memory_space<vmem>> -> memref<128xi32, #tpu.memory_space<vmem>>
        %dma_wait3A_131 = arith.constant 0 : i32
        %dma_wait3A_132 = arith.constant 0 : i32
        %dma_wait3A_133 = tpu.memref_slice %arg6[%dma_wait3A_131, %dma_wait3A_132] : memref<10240x128xf32, #tpu.memory_space<vmem_shared>> -> memref<10240x128xf32, #tpu.memory_space<vmem_shared>>
        tpu.wait_indirect_dma semaphore(%arg13 : memref<!tpu.dma_semaphore, #tpu.memory_space<semaphore_mem>>) src(%arg9 : memref<128x128xf32, #tpu.memory_space<vmem>>) dst(%dma_wait3A_133 : memref<10240x128xf32, #tpu.memory_space<vmem_shared>>)
        %add3A_134 = arith.constant 2 : i32
        %add3A_135 = arith.addi %add3A_88, %add3A_134 : i32
        %dma_start3A_136 = arith.constant 0 : i32
        %dma_start3A_137 = tpu.memref_slice %arg7[%add3A_135, %dma_start3A_136] : memref<40x128xi32, #tpu.memory_space<vmem>> -> memref<1x128xi32, #tpu.memory_space<vmem>>
        %dma_start3A_138 = tpu.memref_squeeze %dma_start3A_137 : memref<1x128xi32, #tpu.memory_space<vmem>> -> memref<128xi32, #tpu.memory_space<vmem>>
        %dma_start3A_139 = arith.constant 0 : i32
        %dma_start3A_140 = arith.constant 0 : i32
        %dma_start3A_141 = tpu.memref_slice %arg2[%dma_start3A_139, %dma_start3A_140] : memref<10240x128xf32, #tpu.memory_space<hbm>> -> memref<10240x128xf32, #tpu.memory_space<hbm>>
        tpu.enqueue_indirect_dma source(%dma_start3A_141 : memref<10240x128xf32, #tpu.memory_space<hbm>>) target(%arg9 : memref<128x128xf32, #tpu.memory_space<vmem>>) offsets(%dma_start3A_138 : memref<128xi32, #tpu.memory_space<vmem>>) semaphore(%arg11 : memref<!tpu.dma_semaphore, #tpu.memory_space<semaphore_mem>>)
      } else {
      }
      %add3A_121 = arith.constant 3 : i32
      %add3A_122 = arith.addi %add3A_88, %add3A_121 : i32
      %lt3A_123 = arith.constant 40 : i32
      %lt3A_124 = arith.cmpi slt, %add3A_122, %lt3A_123 : i32
      %convert_element_type3A_125 = arith.extui %lt3A_124 : i1 to i32
      %cond3A_126 = arith.constant 0 : i32
      %cond3A_127 = arith.cmpi ne, %convert_element_type3A_125, %cond3A_126 : i32
      scf.if %cond3A_127 {
        %add3A_128 = arith.constant 1 : i32
        %add3A_129 = arith.addi %add3A_88, %add3A_128 : i32
        %dma_wait3A_130 = arith.constant 0 : i32
        %dma_wait3A_131 = tpu.memref_slice %arg8[%add3A_129, %dma_wait3A_130] : memref<40x128xi32, #tpu.memory_space<vmem>> -> memref<1x128xi32, #tpu.memory_space<vmem>>
        %dma_wait3A_132 = tpu.memref_squeeze %dma_wait3A_131 : memref<1x128xi32, #tpu.memory_space<vmem>> -> memref<128xi32, #tpu.memory_space<vmem>>
        %dma_wait3A_133 = arith.constant 0 : i32
        %dma_wait3A_134 = arith.constant 0 : i32
        %dma_wait3A_135 = tpu.memref_slice %arg6[%dma_wait3A_133, %dma_wait3A_134] : memref<10240x128xf32, #tpu.memory_space<vmem_shared>> -> memref<10240x128xf32, #tpu.memory_space<vmem_shared>>
        tpu.wait_indirect_dma semaphore(%arg14 : memref<!tpu.dma_semaphore, #tpu.memory_space<semaphore_mem>>) src(%arg10 : memref<128x128xf32, #tpu.memory_space<vmem>>) dst(%dma_wait3A_135 : memref<10240x128xf32, #tpu.memory_space<vmem_shared>>)
        %add3A_136 = arith.constant 3 : i32
        %add3A_137 = arith.addi %add3A_88, %add3A_136 : i32
        %dma_start3A_138 = arith.constant 0 : i32
        %dma_start3A_139 = tpu.memref_slice %arg7[%add3A_137, %dma_start3A_138] : memref<40x128xi32, #tpu.memory_space<vmem>> -> memref<1x128xi32, #tpu.memory_space<vmem>>
        %dma_start3A_140 = tpu.memref_squeeze %dma_start3A_139 : memref<1x128xi32, #tpu.memory_space<vmem>> -> memref<128xi32, #tpu.memory_space<vmem>>
        %dma_start3A_141 = arith.constant 0 : i32
        %dma_start3A_142 = arith.constant 0 : i32
        %dma_start3A_143 = tpu.memref_slice %arg2[%dma_start3A_141, %dma_start3A_142] : memref<10240x128xf32, #tpu.memory_space<hbm>> -> memref<10240x128xf32, #tpu.memory_space<hbm>>
        tpu.enqueue_indirect_dma source(%dma_start3A_143 : memref<10240x128xf32, #tpu.memory_space<hbm>>) target(%arg10 : memref<128x128xf32, #tpu.memory_space<vmem>>) offsets(%dma_start3A_140 : memref<128xi32, #tpu.memory_space<vmem>>) semaphore(%arg12 : memref<!tpu.dma_semaphore, #tpu.memory_space<semaphore_mem>>)
      } else {
      }
    }
    %scan3A_29 = arith.constant 20 : i32
    %dma_wait3A = arith.constant 38 : i32
    %dma_wait3A_30 = arith.constant 0 : i32
    %dma_wait3A_31 = tpu.memref_slice %arg8[%dma_wait3A, %dma_wait3A_30] : memref<40x128xi32, #tpu.memory_space<vmem>> -> memref<1x128xi32, #tpu.memory_space<vmem>>
    %dma_wait3A_32 = tpu.memref_squeeze %dma_wait3A_31 : memref<1x128xi32, #tpu.memory_space<vmem>> -> memref<128xi32, #tpu.memory_space<vmem>>
    %dma_wait3A_33 = arith.constant 0 : i32
    %dma_wait3A_34 = arith.constant 0 : i32
    %dma_wait3A_35 = tpu.memref_slice %arg6[%dma_wait3A_33, %dma_wait3A_34] : memref<10240x128xf32, #tpu.memory_space<vmem_shared>> -> memref<10240x128xf32, #tpu.memory_space<vmem_shared>>
    tpu.wait_indirect_dma semaphore(%arg13 : memref<!tpu.dma_semaphore, #tpu.memory_space<semaphore_mem>>) src(%arg9 : memref<128x128xf32, #tpu.memory_space<vmem>>) dst(%dma_wait3A_35 : memref<10240x128xf32, #tpu.memory_space<vmem_shared>>)
    %dma_wait3A_36 = arith.constant 39 : i32
    %dma_wait3A_37 = arith.constant 0 : i32
    %dma_wait3A_38 = tpu.memref_slice %arg8[%dma_wait3A_36, %dma_wait3A_37] : memref<40x128xi32, #tpu.memory_space<vmem>> -> memref<1x128xi32, #tpu.memory_space<vmem>>
    %dma_wait3A_39 = tpu.memref_squeeze %dma_wait3A_38 : memref<1x128xi32, #tpu.memory_space<vmem>> -> memref<128xi32, #tpu.memory_space<vmem>>
    %dma_wait3A_40 = arith.constant 0 : i32
    %dma_wait3A_41 = arith.constant 0 : i32
    %dma_wait3A_42 = tpu.memref_slice %arg6[%dma_wait3A_40, %dma_wait3A_41] : memref<10240x128xf32, #tpu.memory_space<vmem_shared>> -> memref<10240x128xf32, #tpu.memory_space<vmem_shared>>
    tpu.wait_indirect_dma semaphore(%arg14 : memref<!tpu.dma_semaphore, #tpu.memory_space<semaphore_mem>>) src(%arg10 : memref<128x128xf32, #tpu.memory_space<vmem>>) dst(%dma_wait3A_42 : memref<10240x128xf32, #tpu.memory_space<vmem_shared>>)
    %run_scoped3A_43 = arith.constant 1 : i32
    "tpu.region"() ({
      %run_scoped3A_84 = tpu.sem_alloc : memref<!tpu.dma_semaphore, #tpu.memory_space<semaphore_mem>>
      %dma_start3A_85 = arith.constant 0 : i32
      %dma_start3A_86 = arith.constant 0 : i32
      %dma_start3A_87 = tpu.memref_slice %arg3[%add3A, %run_scoped3A_43, %dma_start3A_85, %dma_start3A_86] : memref<32x2x40x128xi32, #tpu.memory_space<hbm>> -> memref<1x1x40x128xi32, #tpu.memory_space<hbm>>
      %dma_start3A_88 = tpu.memref_squeeze %dma_start3A_87 : memref<1x1x40x128xi32, #tpu.memory_space<hbm>> -> memref<40x128xi32, #tpu.memory_space<hbm>>
      %dma_start3A_89 = arith.constant 0 : i32
      %dma_start3A_90 = arith.constant 0 : i32
      %dma_start3A_91 = tpu.memref_slice %arg3[%add3A, %run_scoped3A_43, %dma_start3A_89, %dma_start3A_90] : memref<32x2x40x128xi32, #tpu.memory_space<hbm>> -> memref<1x1x40x128xi32, #tpu.memory_space<hbm>>
      %dma_start3A_92 = tpu.memref_squeeze %dma_start3A_91 : memref<1x1x40x128xi32, #tpu.memory_space<hbm>> -> memref<40x128xi32, #tpu.memory_space<hbm>>
      tpu.enqueue_dma source(%dma_start3A_92 : memref<40x128xi32, #tpu.memory_space<hbm>>) target(%arg7 : memref<40x128xi32, #tpu.memory_space<vmem>>) target_semaphore(%run_scoped3A_84 : memref<!tpu.dma_semaphore, #tpu.memory_space<semaphore_mem>>)
      %dma_wait3A_93 = arith.constant 0 : i32
      %dma_wait3A_94 = arith.constant 0 : i32
      %dma_wait3A_95 = tpu.memref_slice %arg3[%add3A, %run_scoped3A_43, %dma_wait3A_93, %dma_wait3A_94] : memref<32x2x40x128xi32, #tpu.memory_space<hbm>> -> memref<1x1x40x128xi32, #tpu.memory_space<hbm>>
      %dma_wait3A_96 = tpu.memref_squeeze %dma_wait3A_95 : memref<1x1x40x128xi32, #tpu.memory_space<hbm>> -> memref<40x128xi32, #tpu.memory_space<hbm>>
      %dma_wait3A_97 = arith.constant 0 : i32
      %dma_wait3A_98 = arith.constant 0 : i32
      %dma_wait3A_99 = tpu.memref_slice %arg3[%add3A, %run_scoped3A_43, %dma_wait3A_97, %dma_wait3A_98] : memref<32x2x40x128xi32, #tpu.memory_space<hbm>> -> memref<1x1x40x128xi32, #tpu.memory_space<hbm>>
      %dma_wait3A_100 = tpu.memref_squeeze %dma_wait3A_99 : memref<1x1x40x128xi32, #tpu.memory_space<hbm>> -> memref<40x128xi32, #tpu.memory_space<hbm>>
      tpu.wait_dma2 semaphore(%run_scoped3A_84 : memref<!tpu.dma_semaphore, #tpu.memory_space<semaphore_mem>>) src(%dma_wait3A_100 : memref<40x128xi32, #tpu.memory_space<hbm>>) dst(%arg7 : memref<40x128xi32, #tpu.memory_space<vmem>>)
      tpu.yield
    }) : () -> ()
    %run_scoped3A_44 = arith.constant 1 : i32
    "tpu.region"() ({
      %run_scoped3A_84 = tpu.sem_alloc : memref<!tpu.dma_semaphore, #tpu.memory_space<semaphore_mem>>
      %dma_start3A_85 = arith.constant 0 : i32
      %dma_start3A_86 = arith.constant 0 : i32
      %dma_start3A_87 = tpu.memref_slice %arg4[%add3A, %run_scoped3A_44, %dma_start3A_85, %dma_start3A_86] : memref<32x2x40x128xi32, #tpu.memory_space<hbm>> -> memref<1x1x40x128xi32, #tpu.memory_space<hbm>>
      %dma_start3A_88 = tpu.memref_squeeze %dma_start3A_87 : memref<1x1x40x128xi32, #tpu.memory_space<hbm>> -> memref<40x128xi32, #tpu.memory_space<hbm>>
      %dma_start3A_89 = arith.constant 0 : i32
      %dma_start3A_90 = arith.constant 0 : i32
      %dma_start3A_91 = tpu.memref_slice %arg4[%add3A, %run_scoped3A_44, %dma_start3A_89, %dma_start3A_90] : memref<32x2x40x128xi32, #tpu.memory_space<hbm>> -> memref<1x1x40x128xi32, #tpu.memory_space<hbm>>
      %dma_start3A_92 = tpu.memref_squeeze %dma_start3A_91 : memref<1x1x40x128xi32, #tpu.memory_space<hbm>> -> memref<40x128xi32, #tpu.memory_space<hbm>>
      tpu.enqueue_dma source(%dma_start3A_92 : memref<40x128xi32, #tpu.memory_space<hbm>>) target(%arg8 : memref<40x128xi32, #tpu.memory_space<vmem>>) target_semaphore(%run_scoped3A_84 : memref<!tpu.dma_semaphore, #tpu.memory_space<semaphore_mem>>)
      %dma_wait3A_93 = arith.constant 0 : i32
      %dma_wait3A_94 = arith.constant 0 : i32
      %dma_wait3A_95 = tpu.memref_slice %arg4[%add3A, %run_scoped3A_44, %dma_wait3A_93, %dma_wait3A_94] : memref<32x2x40x128xi32, #tpu.memory_space<hbm>> -> memref<1x1x40x128xi32, #tpu.memory_space<hbm>>
      %dma_wait3A_96 = tpu.memref_squeeze %dma_wait3A_95 : memref<1x1x40x128xi32, #tpu.memory_space<hbm>> -> memref<40x128xi32, #tpu.memory_space<hbm>>
      %dma_wait3A_97 = arith.constant 0 : i32
      %dma_wait3A_98 = arith.constant 0 : i32
      %dma_wait3A_99 = tpu.memref_slice %arg4[%add3A, %run_scoped3A_44, %dma_wait3A_97, %dma_wait3A_98] : memref<32x2x40x128xi32, #tpu.memory_space<hbm>> -> memref<1x1x40x128xi32, #tpu.memory_space<hbm>>
      %dma_wait3A_100 = tpu.memref_squeeze %dma_wait3A_99 : memref<1x1x40x128xi32, #tpu.memory_space<hbm>> -> memref<40x128xi32, #tpu.memory_space<hbm>>
      tpu.wait_dma2 semaphore(%run_scoped3A_84 : memref<!tpu.dma_semaphore, #tpu.memory_space<semaphore_mem>>) src(%dma_wait3A_100 : memref<40x128xi32, #tpu.memory_space<hbm>>) dst(%arg8 : memref<40x128xi32, #tpu.memory_space<vmem>>)
      tpu.yield
    }) : () -> ()
    %dma_start3A_45 = arith.constant 0 : i32
    %dma_start3A_46 = arith.constant 0 : i32
    %dma_start3A_47 = tpu.memref_slice %arg7[%dma_start3A_45, %dma_start3A_46] : memref<40x128xi32, #tpu.memory_space<vmem>> -> memref<1x128xi32, #tpu.memory_space<vmem>>
    %dma_start3A_48 = tpu.memref_squeeze %dma_start3A_47 : memref<1x128xi32, #tpu.memory_space<vmem>> -> memref<128xi32, #tpu.memory_space<vmem>>
    %dma_start3A_49 = arith.constant 0 : i32
    %dma_start3A_50 = arith.constant 0 : i32
    %dma_start3A_51 = tpu.memref_slice %arg2[%dma_start3A_49, %dma_start3A_50] : memref<10240x128xf32, #tpu.memory_space<hbm>> -> memref<10240x128xf32, #tpu.memory_space<hbm>>
    tpu.enqueue_indirect_dma source(%dma_start3A_51 : memref<10240x128xf32, #tpu.memory_space<hbm>>) target(%arg9 : memref<128x128xf32, #tpu.memory_space<vmem>>) offsets(%dma_start3A_48 : memref<128xi32, #tpu.memory_space<vmem>>) semaphore(%arg11 : memref<!tpu.dma_semaphore, #tpu.memory_space<semaphore_mem>>)
    %dma_start3A_52 = arith.constant 1 : i32
    %dma_start3A_53 = arith.constant 0 : i32
    %dma_start3A_54 = tpu.memref_slice %arg7[%dma_start3A_52, %dma_start3A_53] : memref<40x128xi32, #tpu.memory_space<vmem>> -> memref<1x128xi32, #tpu.memory_space<vmem>>
    %dma_start3A_55 = tpu.memref_squeeze %dma_start3A_54 : memref<1x128xi32, #tpu.memory_space<vmem>> -> memref<128xi32, #tpu.memory_space<vmem>>
    %dma_start3A_56 = arith.constant 0 : i32
    %dma_start3A_57 = arith.constant 0 : i32
    %dma_start3A_58 = tpu.memref_slice %arg2[%dma_start3A_56, %dma_start3A_57] : memref<10240x128xf32, #tpu.memory_space<hbm>> -> memref<10240x128xf32, #tpu.memory_space<hbm>>
    tpu.enqueue_indirect_dma source(%dma_start3A_58 : memref<10240x128xf32, #tpu.memory_space<hbm>>) target(%arg10 : memref<128x128xf32, #tpu.memory_space<vmem>>) offsets(%dma_start3A_55 : memref<128xi32, #tpu.memory_space<vmem>>) semaphore(%arg12 : memref<!tpu.dma_semaphore, #tpu.memory_space<semaphore_mem>>)
    %scan3A_59 = arith.constant 0 : i32
    %scan3A_60 = arith.constant 20 : i32
    %scan3A_61 = arith.addi %scan3A_59, %scan3A_60 : i32
    %scan3A_62 = arith.constant 1 : i32
    scf.for %scan3A_84 = %scan3A_59 to %scan3A_61 step %scan3A_62  : i32 {
      %mul3A_85 = arith.constant 2 : i32
      %mul3A_86 = arith.muli %scan3A_84, %mul3A_85 : i32
      %add3A_87 = arith.constant 0 : i32
      %add3A_88 = arith.addi %add3A_87, %mul3A_86 : i32
      %dma_wait3A_89 = arith.constant 0 : i32
      %dma_wait3A_90 = tpu.memref_slice %arg7[%add3A_88, %dma_wait3A_89] : memref<40x128xi32, #tpu.memory_space<vmem>> -> memref<1x128xi32, #tpu.memory_space<vmem>>
      %dma_wait3A_91 = tpu.memref_squeeze %dma_wait3A_90 : memref<1x128xi32, #tpu.memory_space<vmem>> -> memref<128xi32, #tpu.memory_space<vmem>>
      %dma_wait3A_92 = arith.constant 0 : i32
      %dma_wait3A_93 = arith.constant 0 : i32
      %dma_wait3A_94 = tpu.memref_slice %arg2[%dma_wait3A_92, %dma_wait3A_93] : memref<10240x128xf32, #tpu.memory_space<hbm>> -> memref<10240x128xf32, #tpu.memory_space<hbm>>
      tpu.wait_indirect_dma semaphore(%arg11 : memref<!tpu.dma_semaphore, #tpu.memory_space<semaphore_mem>>) src(%dma_wait3A_94 : memref<10240x128xf32, #tpu.memory_space<hbm>>) dst(%arg9 : memref<128x128xf32, #tpu.memory_space<vmem>>)
      %dma_start3A_95 = arith.constant 0 : i32
      %dma_start3A_96 = tpu.memref_slice %arg8[%add3A_88, %dma_start3A_95] : memref<40x128xi32, #tpu.memory_space<vmem>> -> memref<1x128xi32, #tpu.memory_space<vmem>>
      %dma_start3A_97 = tpu.memref_squeeze %dma_start3A_96 : memref<1x128xi32, #tpu.memory_space<vmem>> -> memref<128xi32, #tpu.memory_space<vmem>>
      %dma_start3A_98 = arith.constant 0 : i32
      %dma_start3A_99 = arith.constant 0 : i32
      %dma_start3A_100 = tpu.memref_slice %arg6[%dma_start3A_98, %dma_start3A_99] : memref<10240x128xf32, #tpu.memory_space<vmem_shared>> -> memref<10240x128xf32, #tpu.memory_space<vmem_shared>>
      tpu.enqueue_indirect_dma source(%arg9 : memref<128x128xf32, #tpu.memory_space<vmem>>) target(%dma_start3A_100 : memref<10240x128xf32, #tpu.memory_space<vmem_shared>>) offsets(%dma_start3A_97 : memref<128xi32, #tpu.memory_space<vmem>>) semaphore(%arg13 : memref<!tpu.dma_semaphore, #tpu.memory_space<semaphore_mem>>) {add = true}
      %add3A_101 = arith.constant 1 : i32
      %add3A_102 = arith.addi %add3A_88, %add3A_101 : i32
      %dma_wait3A_103 = arith.constant 0 : i32
      %dma_wait3A_104 = tpu.memref_slice %arg7[%add3A_102, %dma_wait3A_103] : memref<40x128xi32, #tpu.memory_space<vmem>> -> memref<1x128xi32, #tpu.memory_space<vmem>>
      %dma_wait3A_105 = tpu.memref_squeeze %dma_wait3A_104 : memref<1x128xi32, #tpu.memory_space<vmem>> -> memref<128xi32, #tpu.memory_space<vmem>>
      %dma_wait3A_106 = arith.constant 0 : i32
      %dma_wait3A_107 = arith.constant 0 : i32
      %dma_wait3A_108 = tpu.memref_slice %arg2[%dma_wait3A_106, %dma_wait3A_107] : memref<10240x128xf32, #tpu.memory_space<hbm>> -> memref<10240x128xf32, #tpu.memory_space<hbm>>
      tpu.wait_indirect_dma semaphore(%arg12 : memref<!tpu.dma_semaphore, #tpu.memory_space<semaphore_mem>>) src(%dma_wait3A_108 : memref<10240x128xf32, #tpu.memory_space<hbm>>) dst(%arg10 : memref<128x128xf32, #tpu.memory_space<vmem>>)
      %add3A_109 = arith.constant 1 : i32
      %add3A_110 = arith.addi %add3A_88, %add3A_109 : i32
      %dma_start3A_111 = arith.constant 0 : i32
      %dma_start3A_112 = tpu.memref_slice %arg8[%add3A_110, %dma_start3A_111] : memref<40x128xi32, #tpu.memory_space<vmem>> -> memref<1x128xi32, #tpu.memory_space<vmem>>
      %dma_start3A_113 = tpu.memref_squeeze %dma_start3A_112 : memref<1x128xi32, #tpu.memory_space<vmem>> -> memref<128xi32, #tpu.memory_space<vmem>>
      %dma_start3A_114 = arith.constant 0 : i32
      %dma_start3A_115 = arith.constant 0 : i32
      %dma_start3A_116 = tpu.memref_slice %arg6[%dma_start3A_114, %dma_start3A_115] : memref<10240x128xf32, #tpu.memory_space<vmem_shared>> -> memref<10240x128xf32, #tpu.memory_space<vmem_shared>>
      tpu.enqueue_indirect_dma source(%arg10 : memref<128x128xf32, #tpu.memory_space<vmem>>) target(%dma_start3A_116 : memref<10240x128xf32, #tpu.memory_space<vmem_shared>>) offsets(%dma_start3A_113 : memref<128xi32, #tpu.memory_space<vmem>>) semaphore(%arg14 : memref<!tpu.dma_semaphore, #tpu.memory_space<semaphore_mem>>) {add = true}
      %add3A_117 = arith.constant 2 : i32
      %add3A_118 = arith.addi %add3A_88, %add3A_117 : i32
      %lt3A = arith.constant 40 : i32
      %lt3A_119 = arith.cmpi slt, %add3A_118, %lt3A : i32
      %convert_element_type3A = arith.extui %lt3A_119 : i1 to i32
      %cond3A = arith.constant 0 : i32
      %cond3A_120 = arith.cmpi ne, %convert_element_type3A, %cond3A : i32
      scf.if %cond3A_120 {
        %dma_wait3A_128 = arith.constant 0 : i32
        %dma_wait3A_129 = tpu.memref_slice %arg8[%add3A_88, %dma_wait3A_128] : memref<40x128xi32, #tpu.memory_space<vmem>> -> memref<1x128xi32, #tpu.memory_space<vmem>>
        %dma_wait3A_130 = tpu.memref_squeeze %dma_wait3A_129 : memref<1x128xi32, #tpu.memory_space<vmem>> -> memref<128xi32, #tpu.memory_space<vmem>>
        %dma_wait3A_131 = arith.constant 0 : i32
        %dma_wait3A_132 = arith.constant 0 : i32
        %dma_wait3A_133 = tpu.memref_slice %arg6[%dma_wait3A_131, %dma_wait3A_132] : memref<10240x128xf32, #tpu.memory_space<vmem_shared>> -> memref<10240x128xf32, #tpu.memory_space<vmem_shared>>
        tpu.wait_indirect_dma semaphore(%arg13 : memref<!tpu.dma_semaphore, #tpu.memory_space<semaphore_mem>>) src(%arg9 : memref<128x128xf32, #tpu.memory_space<vmem>>) dst(%dma_wait3A_133 : memref<10240x128xf32, #tpu.memory_space<vmem_shared>>)
        %add3A_134 = arith.constant 2 : i32
        %add3A_135 = arith.addi %add3A_88, %add3A_134 : i32
        %dma_start3A_136 = arith.constant 0 : i32
        %dma_start3A_137 = tpu.memref_slice %arg7[%add3A_135, %dma_start3A_136] : memref<40x128xi32, #tpu.memory_space<vmem>> -> memref<1x128xi32, #tpu.memory_space<vmem>>
        %dma_start3A_138 = tpu.memref_squeeze %dma_start3A_137 : memref<1x128xi32, #tpu.memory_space<vmem>> -> memref<128xi32, #tpu.memory_space<vmem>>
        %dma_start3A_139 = arith.constant 0 : i32
        %dma_start3A_140 = arith.constant 0 : i32
        %dma_start3A_141 = tpu.memref_slice %arg2[%dma_start3A_139, %dma_start3A_140] : memref<10240x128xf32, #tpu.memory_space<hbm>> -> memref<10240x128xf32, #tpu.memory_space<hbm>>
        tpu.enqueue_indirect_dma source(%dma_start3A_141 : memref<10240x128xf32, #tpu.memory_space<hbm>>) target(%arg9 : memref<128x128xf32, #tpu.memory_space<vmem>>) offsets(%dma_start3A_138 : memref<128xi32, #tpu.memory_space<vmem>>) semaphore(%arg11 : memref<!tpu.dma_semaphore, #tpu.memory_space<semaphore_mem>>)
      } else {
      }
      %add3A_121 = arith.constant 3 : i32
      %add3A_122 = arith.addi %add3A_88, %add3A_121 : i32
      %lt3A_123 = arith.constant 40 : i32
      %lt3A_124 = arith.cmpi slt, %add3A_122, %lt3A_123 : i32
      %convert_element_type3A_125 = arith.extui %lt3A_124 : i1 to i32
      %cond3A_126 = arith.constant 0 : i32
      %cond3A_127 = arith.cmpi ne, %convert_element_type3A_125, %cond3A_126 : i32
      scf.if %cond3A_127 {
        %add3A_128 = arith.constant 1 : i32
        %add3A_129 = arith.addi %add3A_88, %add3A_128 : i32
        %dma_wait3A_130 = arith.constant 0 : i32
        %dma_wait3A_131 = tpu.memref_slice %arg8[%add3A_129, %dma_wait3A_130] : memref<40x128xi32, #tpu.memory_space<vmem>> -> memref<1x128xi32, #tpu.memory_space<vmem>>
        %dma_wait3A_132 = tpu.memref_squeeze %dma_wait3A_131 : memref<1x128xi32, #tpu.memory_space<vmem>> -> memref<128xi32, #tpu.memory_space<vmem>>
        %dma_wait3A_133 = arith.constant 0 : i32
        %dma_wait3A_134 = arith.constant 0 : i32
        %dma_wait3A_135 = tpu.memref_slice %arg6[%dma_wait3A_133, %dma_wait3A_134] : memref<10240x128xf32, #tpu.memory_space<vmem_shared>> -> memref<10240x128xf32, #tpu.memory_space<vmem_shared>>
        tpu.wait_indirect_dma semaphore(%arg14 : memref<!tpu.dma_semaphore, #tpu.memory_space<semaphore_mem>>) src(%arg10 : memref<128x128xf32, #tpu.memory_space<vmem>>) dst(%dma_wait3A_135 : memref<10240x128xf32, #tpu.memory_space<vmem_shared>>)
        %add3A_136 = arith.constant 3 : i32
        %add3A_137 = arith.addi %add3A_88, %add3A_136 : i32
        %dma_start3A_138 = arith.constant 0 : i32
        %dma_start3A_139 = tpu.memref_slice %arg7[%add3A_137, %dma_start3A_138] : memref<40x128xi32, #tpu.memory_space<vmem>> -> memref<1x128xi32, #tpu.memory_space<vmem>>
        %dma_start3A_140 = tpu.memref_squeeze %dma_start3A_139 : memref<1x128xi32, #tpu.memory_space<vmem>> -> memref<128xi32, #tpu.memory_space<vmem>>
        %dma_start3A_141 = arith.constant 0 : i32
        %dma_start3A_142 = arith.constant 0 : i32
        %dma_start3A_143 = tpu.memref_slice %arg2[%dma_start3A_141, %dma_start3A_142] : memref<10240x128xf32, #tpu.memory_space<hbm>> -> memref<10240x128xf32, #tpu.memory_space<hbm>>
        tpu.enqueue_indirect_dma source(%dma_start3A_143 : memref<10240x128xf32, #tpu.memory_space<hbm>>) target(%arg10 : memref<128x128xf32, #tpu.memory_space<vmem>>) offsets(%dma_start3A_140 : memref<128xi32, #tpu.memory_space<vmem>>) semaphore(%arg12 : memref<!tpu.dma_semaphore, #tpu.memory_space<semaphore_mem>>)
      } else {
      }
    }
    %scan3A_63 = arith.constant 20 : i32
    %dma_wait3A_64 = arith.constant 38 : i32
    %dma_wait3A_65 = arith.constant 0 : i32
    %dma_wait3A_66 = tpu.memref_slice %arg8[%dma_wait3A_64, %dma_wait3A_65] : memref<40x128xi32, #tpu.memory_space<vmem>> -> memref<1x128xi32, #tpu.memory_space<vmem>>
    %dma_wait3A_67 = tpu.memref_squeeze %dma_wait3A_66 : memref<1x128xi32, #tpu.memory_space<vmem>> -> memref<128xi32, #tpu.memory_space<vmem>>
    %dma_wait3A_68 = arith.constant 0 : i32
    %dma_wait3A_69 = arith.constant 0 : i32
    %dma_wait3A_70 = tpu.memref_slice %arg6[%dma_wait3A_68, %dma_wait3A_69] : memref<10240x128xf32, #tpu.memory_space<vmem_shared>> -> memref<10240x128xf32, #tpu.memory_space<vmem_shared>>
    tpu.wait_indirect_dma semaphore(%arg13 : memref<!tpu.dma_semaphore, #tpu.memory_space<semaphore_mem>>) src(%arg9 : memref<128x128xf32, #tpu.memory_space<vmem>>) dst(%dma_wait3A_70 : memref<10240x128xf32, #tpu.memory_space<vmem_shared>>)
    %dma_wait3A_71 = arith.constant 39 : i32
    %dma_wait3A_72 = arith.constant 0 : i32
    %dma_wait3A_73 = tpu.memref_slice %arg8[%dma_wait3A_71, %dma_wait3A_72] : memref<40x128xi32, #tpu.memory_space<vmem>> -> memref<1x128xi32, #tpu.memory_space<vmem>>
    %dma_wait3A_74 = tpu.memref_squeeze %dma_wait3A_73 : memref<1x128xi32, #tpu.memory_space<vmem>> -> memref<128xi32, #tpu.memory_space<vmem>>
    %dma_wait3A_75 = arith.constant 0 : i32
    %dma_wait3A_76 = arith.constant 0 : i32
    %dma_wait3A_77 = tpu.memref_slice %arg6[%dma_wait3A_75, %dma_wait3A_76] : memref<10240x128xf32, #tpu.memory_space<vmem_shared>> -> memref<10240x128xf32, #tpu.memory_space<vmem_shared>>
    tpu.wait_indirect_dma semaphore(%arg14 : memref<!tpu.dma_semaphore, #tpu.memory_space<semaphore_mem>>) src(%arg10 : memref<128x128xf32, #tpu.memory_space<vmem>>) dst(%dma_wait3A_77 : memref<10240x128xf32, #tpu.memory_space<vmem_shared>>)
    %barrier3A_78 = arith.constant 0 : index
    tpu.barrier barrier_id(%barrier3A_78)
    %scan3A_79 = arith.constant 0 : i32
    %scan3A_80 = arith.constant 5 : i32
    %scan3A_81 = arith.addi %scan3A_79, %scan3A_80 : i32
    %scan3A_82 = arith.constant 1 : i32
    scf.for %scan3A_84 = %scan3A_79 to %scan3A_81 step %scan3A_82  : i32 {
      %mul3A_85 = arith.constant 128 : i32
      %mul3A_86 = arith.muli %scan3A_84, %mul3A_85 : i32
      %add3A_87 = arith.constant 0 : i32
      %add3A_88 = arith.addi %add3A_87, %mul3A_86 : i32
      %mul3A_89 = arith.constant 640 : i32
      %mul3A_90 = arith.muli %arg1, %mul3A_89 : i32
      %add3A_91 = arith.addi %mul3A_90, %add3A_88 : i32
      "tpu.region"() ({
        %run_scoped3A_92 = tpu.sem_alloc : memref<!tpu.dma_semaphore, #tpu.memory_space<semaphore_mem>>
        %dma_start3A_93 = arith.constant 0 : i32
        %dma_start3A_94 = tpu.memref_slice %arg5[%arg0, %add3A_91, %dma_start3A_93] : memref<2x10240x128xf32, #tpu.memory_space<hbm>> -> memref<1x128x128xf32, #tpu.memory_space<hbm>>
        %dma_start3A_95 = tpu.memref_squeeze %dma_start3A_94 : memref<1x128x128xf32, #tpu.memory_space<hbm>> -> memref<128x128xf32, #tpu.memory_space<hbm>>
        %dma_start3A_96 = arith.constant 0 : i32
        %dma_start3A_97 = tpu.memref_slice %arg6[%add3A_91, %dma_start3A_96] : memref<10240x128xf32, #tpu.memory_space<vmem_shared>> -> memref<128x128xf32, #tpu.memory_space<vmem_shared>>
        tpu.enqueue_dma source(%dma_start3A_97 : memref<128x128xf32, #tpu.memory_space<vmem_shared>>) target(%dma_start3A_95 : memref<128x128xf32, #tpu.memory_space<hbm>>) target_semaphore(%run_scoped3A_92 : memref<!tpu.dma_semaphore, #tpu.memory_space<semaphore_mem>>)
        %dma_wait3A_98 = arith.constant 0 : i32
        %dma_wait3A_99 = tpu.memref_slice %arg5[%arg0, %add3A_91, %dma_wait3A_98] : memref<2x10240x128xf32, #tpu.memory_space<hbm>> -> memref<1x128x128xf32, #tpu.memory_space<hbm>>
        %dma_wait3A_100 = tpu.memref_squeeze %dma_wait3A_99 : memref<1x128x128xf32, #tpu.memory_space<hbm>> -> memref<128x128xf32, #tpu.memory_space<hbm>>
        %dma_wait3A_101 = arith.constant 0 : i32
        %dma_wait3A_102 = tpu.memref_slice %arg6[%add3A_91, %dma_wait3A_101] : memref<10240x128xf32, #tpu.memory_space<vmem_shared>> -> memref<128x128xf32, #tpu.memory_space<vmem_shared>>
        tpu.wait_dma2 semaphore(%run_scoped3A_92 : memref<!tpu.dma_semaphore, #tpu.memory_space<semaphore_mem>>) src(%dma_wait3A_102 : memref<128x128xf32, #tpu.memory_space<vmem_shared>>) dst(%dma_wait3A_100 : memref<128x128xf32, #tpu.memory_space<hbm>>)
        tpu.yield
      }) : () -> ()
    }
    %scan3A_83 = arith.constant 5 : i32
    return
  }
}

#map = affine_map<(d0, d1) -> (0, 0)>
#map1 = affine_map<(d0, d1) -> (0, 0, 0, 0)>
#map2 = affine_map<(d0, d1) -> (0, 0, 0)>
module attributes {stable_mosaic.version = 14 : i64} {
  func.func @_edge_body(%arg0: i32, %arg1: i32, %arg2: memref<10240x128xf32, #tpu.memory_space<hbm>>, %arg3: memref<32x2x40x128xi32, #tpu.memory_space<hbm>>, %arg4: memref<32x2x40x128xi32, #tpu.memory_space<hbm>>, %arg5: memref<2x10240x128xf32, #tpu.memory_space<hbm>>, %arg6: memref<10240x128xf32, #tpu.memory_space<vmem_shared>>, %arg7: memref<40x128xi32, #tpu.memory_space<vmem>>, %arg8: memref<40x128xi32, #tpu.memory_space<vmem>>, %arg9: memref<128x128xf32, #tpu.memory_space<vmem>>, %arg10: memref<128x128xf32, #tpu.memory_space<vmem>>, %arg11: memref<!tpu.dma_semaphore, #tpu.memory_space<semaphore_mem>>, %arg12: memref<!tpu.dma_semaphore, #tpu.memory_space<semaphore_mem>>, %arg13: memref<!tpu.dma_semaphore, #tpu.memory_space<semaphore_mem>>, %arg14: memref<!tpu.dma_semaphore, #tpu.memory_space<semaphore_mem>>) attributes {dimension_semantics = [#tpu.dimension_semantics<core_parallel>, #tpu.dimension_semantics<subcore_parallel>], iteration_bounds = array<i64: 2, 16>, scalar_prefetch = 0 : i64, scratch_operands = 9 : i64, tpu.core_type = #tpu.core_type<sc_vector_subcore>, window_params = [{transform_indices = #map}, {transform_indices = #map1}, {transform_indices = #map1}, {transform_indices = #map2}]} {
    %mul3A = arith.constant 16 : i32
    %mul3A_0 = arith.muli %arg0, %mul3A : i32
    %add3A = arith.addi %mul3A_0, %arg1 : i32
    %broadcast_in_dim3A = arith.constant 0.000000e+00 : f32
    %broadcast_in_dim3A_1 = vector.broadcast %broadcast_in_dim3A : f32 to vector<16xf32>
    %scan3A = arith.constant 0 : i32
    %scan3A_2 = arith.constant 128 : i32
    %scan3A_3 = arith.addi %scan3A, %scan3A_2 : i32
    %scan3A_4 = arith.constant 1 : i32
    scf.for %scan3A_84 = %scan3A to %scan3A_3 step %scan3A_4  : i32 {
      %mul3A_85 = arith.constant 1 : i32
      %mul3A_86 = arith.muli %scan3A_84, %mul3A_85 : i32
      %add3A_87 = arith.constant 0 : i32
      %add3A_88 = arith.addi %add3A_87, %mul3A_86 : i32
      %scan3A_89 = arith.constant 0 : i32
      %scan3A_90 = arith.constant 8 : i32
      %scan3A_91 = arith.addi %scan3A_89, %scan3A_90 : i32
      %scan3A_92 = arith.constant 1 : i32
      scf.for %scan3A_94 = %scan3A_89 to %scan3A_91 step %scan3A_92  : i32 {
        %mul3A_95 = arith.constant 16 : i32
        %mul3A_96 = arith.muli %scan3A_94, %mul3A_95 : i32
        %add3A_97 = arith.constant 0 : i32
        %add3A_98 = arith.addi %add3A_97, %mul3A_96 : i32
        %swap3A = arith.index_cast %add3A_88 : i32 to index
        %swap3A_99 = arith.index_cast %add3A_98 : i32 to index
        %swap3A_100 = tpu.vector_load %arg9[%swap3A, %swap3A_99] {strides = array<i32>} : memref<128x128xf32, #tpu.memory_space<vmem>>, vector<16xf32>,
        tpu.vector_store %arg9[%swap3A, %swap3A_99], %broadcast_in_dim3A_1 {strides = array<i32>} : memref<128x128xf32, #tpu.memory_space<vmem>>, vector<16xf32>,
      }
      %scan3A_93 = arith.constant 8 : i32
    }
    %scan3A_5 = arith.constant 128 : i32
    %scan3A_6 = arith.constant 0 : i32
    %scan3A_7 = arith.constant 5 : i32
    %scan3A_8 = arith.addi %scan3A_6, %scan3A_7 : i32
    %scan3A_9 = arith.constant 1 : i32
    scf.for %scan3A_84 = %scan3A_6 to %scan3A_8 step %scan3A_9  : i32 {
      %mul3A_85 = arith.constant 128 : i32
      %mul3A_86 = arith.muli %scan3A_84, %mul3A_85 : i32
      %add3A_87 = arith.constant 0 : i32
      %add3A_88 = arith.addi %add3A_87, %mul3A_86 : i32
      %mul3A_89 = arith.constant 640 : i32
      %mul3A_90 = arith.muli %arg1, %mul3A_89 : i32
      %add3A_91 = arith.addi %mul3A_90, %add3A_88 : i32
      "tpu.region"() ({
        %run_scoped3A_92 = tpu.sem_alloc : memref<!tpu.dma_semaphore, #tpu.memory_space<semaphore_mem>>
        %dma_start3A_93 = arith.constant 0 : i32
        %dma_start3A_94 = tpu.memref_slice %arg6[%add3A_91, %dma_start3A_93] : memref<10240x128xf32, #tpu.memory_space<vmem_shared>> -> memref<128x128xf32, #tpu.memory_space<vmem_shared>>
        %dma_start3A_95 = arith.constant 0 : i32
        %dma_start3A_96 = tpu.memref_slice %arg6[%add3A_91, %dma_start3A_95] : memref<10240x128xf32, #tpu.memory_space<vmem_shared>> -> memref<128x128xf32, #tpu.memory_space<vmem_shared>>
        tpu.enqueue_dma source(%arg9 : memref<128x128xf32, #tpu.memory_space<vmem>>) target(%dma_start3A_96 : memref<128x128xf32, #tpu.memory_space<vmem_shared>>) target_semaphore(%run_scoped3A_92 : memref<!tpu.dma_semaphore, #tpu.memory_space<semaphore_mem>>)
        %dma_wait3A_97 = arith.constant 0 : i32
        %dma_wait3A_98 = tpu.memref_slice %arg6[%add3A_91, %dma_wait3A_97] : memref<10240x128xf32, #tpu.memory_space<vmem_shared>> -> memref<128x128xf32, #tpu.memory_space<vmem_shared>>
        %dma_wait3A_99 = arith.constant 0 : i32
        %dma_wait3A_100 = tpu.memref_slice %arg6[%add3A_91, %dma_wait3A_99] : memref<10240x128xf32, #tpu.memory_space<vmem_shared>> -> memref<128x128xf32, #tpu.memory_space<vmem_shared>>
        tpu.wait_dma2 semaphore(%run_scoped3A_92 : memref<!tpu.dma_semaphore, #tpu.memory_space<semaphore_mem>>) src(%arg9 : memref<128x128xf32, #tpu.memory_space<vmem>>) dst(%dma_wait3A_100 : memref<128x128xf32, #tpu.memory_space<vmem_shared>>)
        tpu.yield
      }) : () -> ()
    }
    %scan3A_10 = arith.constant 5 : i32
    %barrier3A = arith.constant 0 : index
    tpu.barrier barrier_id(%barrier3A)
    %run_scoped3A = arith.constant 0 : i32
    "tpu.region"() ({
      %run_scoped3A_84 = tpu.sem_alloc : memref<!tpu.dma_semaphore, #tpu.memory_space<semaphore_mem>>
      %dma_start3A_85 = arith.constant 0 : i32
      %dma_start3A_86 = arith.constant 0 : i32
      %dma_start3A_87 = tpu.memref_slice %arg3[%add3A, %run_scoped3A, %dma_start3A_85, %dma_start3A_86] : memref<32x2x40x128xi32, #tpu.memory_space<hbm>> -> memref<1x1x40x128xi32, #tpu.memory_space<hbm>>
      %dma_start3A_88 = tpu.memref_squeeze %dma_start3A_87 : memref<1x1x40x128xi32, #tpu.memory_space<hbm>> -> memref<40x128xi32, #tpu.memory_space<hbm>>
      %dma_start3A_89 = arith.constant 0 : i32
      %dma_start3A_90 = arith.constant 0 : i32
      %dma_start3A_91 = tpu.memref_slice %arg3[%add3A, %run_scoped3A, %dma_start3A_89, %dma_start3A_90] : memref<32x2x40x128xi32, #tpu.memory_space<hbm>> -> memref<1x1x40x128xi32, #tpu.memory_space<hbm>>
      %dma_start3A_92 = tpu.memref_squeeze %dma_start3A_91 : memref<1x1x40x128xi32, #tpu.memory_space<hbm>> -> memref<40x128xi32, #tpu.memory_space<hbm>>
      tpu.enqueue_dma source(%dma_start3A_92 : memref<40x128xi32, #tpu.memory_space<hbm>>) target(%arg7 : memref<40x128xi32, #tpu.memory_space<vmem>>) target_semaphore(%run_scoped3A_84 : memref<!tpu.dma_semaphore, #tpu.memory_space<semaphore_mem>>)
      %dma_wait3A_93 = arith.constant 0 : i32
      %dma_wait3A_94 = arith.constant 0 : i32
      %dma_wait3A_95 = tpu.memref_slice %arg3[%add3A, %run_scoped3A, %dma_wait3A_93, %dma_wait3A_94] : memref<32x2x40x128xi32, #tpu.memory_space<hbm>> -> memref<1x1x40x128xi32, #tpu.memory_space<hbm>>
      %dma_wait3A_96 = tpu.memref_squeeze %dma_wait3A_95 : memref<1x1x40x128xi32, #tpu.memory_space<hbm>> -> memref<40x128xi32, #tpu.memory_space<hbm>>
      %dma_wait3A_97 = arith.constant 0 : i32
      %dma_wait3A_98 = arith.constant 0 : i32
      %dma_wait3A_99 = tpu.memref_slice %arg3[%add3A, %run_scoped3A, %dma_wait3A_97, %dma_wait3A_98] : memref<32x2x40x128xi32, #tpu.memory_space<hbm>> -> memref<1x1x40x128xi32, #tpu.memory_space<hbm>>
      %dma_wait3A_100 = tpu.memref_squeeze %dma_wait3A_99 : memref<1x1x40x128xi32, #tpu.memory_space<hbm>> -> memref<40x128xi32, #tpu.memory_space<hbm>>
      tpu.wait_dma2 semaphore(%run_scoped3A_84 : memref<!tpu.dma_semaphore, #tpu.memory_space<semaphore_mem>>) src(%dma_wait3A_100 : memref<40x128xi32, #tpu.memory_space<hbm>>) dst(%arg7 : memref<40x128xi32, #tpu.memory_space<vmem>>)
      tpu.yield
    }) : () -> ()
    %run_scoped3A_11 = arith.constant 0 : i32
    "tpu.region"() ({
      %run_scoped3A_84 = tpu.sem_alloc : memref<!tpu.dma_semaphore, #tpu.memory_space<semaphore_mem>>
      %dma_start3A_85 = arith.constant 0 : i32
      %dma_start3A_86 = arith.constant 0 : i32
      %dma_start3A_87 = tpu.memref_slice %arg4[%add3A, %run_scoped3A_11, %dma_start3A_85, %dma_start3A_86] : memref<32x2x40x128xi32, #tpu.memory_space<hbm>> -> memref<1x1x40x128xi32, #tpu.memory_space<hbm>>
      %dma_start3A_88 = tpu.memref_squeeze %dma_start3A_87 : memref<1x1x40x128xi32, #tpu.memory_space<hbm>> -> memref<40x128xi32, #tpu.memory_space<hbm>>
      %dma_start3A_89 = arith.constant 0 : i32
      %dma_start3A_90 = arith.constant 0 : i32
      %dma_start3A_91 = tpu.memref_slice %arg4[%add3A, %run_scoped3A_11, %dma_start3A_89, %dma_start3A_90] : memref<32x2x40x128xi32, #tpu.memory_space<hbm>> -> memref<1x1x40x128xi32, #tpu.memory_space<hbm>>
      %dma_start3A_92 = tpu.memref_squeeze %dma_start3A_91 : memref<1x1x40x128xi32, #tpu.memory_space<hbm>> -> memref<40x128xi32, #tpu.memory_space<hbm>>
      tpu.enqueue_dma source(%dma_start3A_92 : memref<40x128xi32, #tpu.memory_space<hbm>>) target(%arg8 : memref<40x128xi32, #tpu.memory_space<vmem>>) target_semaphore(%run_scoped3A_84 : memref<!tpu.dma_semaphore, #tpu.memory_space<semaphore_mem>>)
      %dma_wait3A_93 = arith.constant 0 : i32
      %dma_wait3A_94 = arith.constant 0 : i32
      %dma_wait3A_95 = tpu.memref_slice %arg4[%add3A, %run_scoped3A_11, %dma_wait3A_93, %dma_wait3A_94] : memref<32x2x40x128xi32, #tpu.memory_space<hbm>> -> memref<1x1x40x128xi32, #tpu.memory_space<hbm>>
      %dma_wait3A_96 = tpu.memref_squeeze %dma_wait3A_95 : memref<1x1x40x128xi32, #tpu.memory_space<hbm>> -> memref<40x128xi32, #tpu.memory_space<hbm>>
      %dma_wait3A_97 = arith.constant 0 : i32
      %dma_wait3A_98 = arith.constant 0 : i32
      %dma_wait3A_99 = tpu.memref_slice %arg4[%add3A, %run_scoped3A_11, %dma_wait3A_97, %dma_wait3A_98] : memref<32x2x40x128xi32, #tpu.memory_space<hbm>> -> memref<1x1x40x128xi32, #tpu.memory_space<hbm>>
      %dma_wait3A_100 = tpu.memref_squeeze %dma_wait3A_99 : memref<1x1x40x128xi32, #tpu.memory_space<hbm>> -> memref<40x128xi32, #tpu.memory_space<hbm>>
      tpu.wait_dma2 semaphore(%run_scoped3A_84 : memref<!tpu.dma_semaphore, #tpu.memory_space<semaphore_mem>>) src(%dma_wait3A_100 : memref<40x128xi32, #tpu.memory_space<hbm>>) dst(%arg8 : memref<40x128xi32, #tpu.memory_space<vmem>>)
      tpu.yield
    }) : () -> ()
    %dma_start3A = arith.constant 0 : i32
    %dma_start3A_12 = arith.constant 0 : i32
    %dma_start3A_13 = tpu.memref_slice %arg7[%dma_start3A, %dma_start3A_12] : memref<40x128xi32, #tpu.memory_space<vmem>> -> memref<1x128xi32, #tpu.memory_space<vmem>>
    %dma_start3A_14 = tpu.memref_squeeze %dma_start3A_13 : memref<1x128xi32, #tpu.memory_space<vmem>> -> memref<128xi32, #tpu.memory_space<vmem>>
    %dma_start3A_15 = arith.constant 0 : i32
    %dma_start3A_16 = arith.constant 0 : i32
    %dma_start3A_17 = tpu.memref_slice %arg2[%dma_start3A_15, %dma_start3A_16] : memref<10240x128xf32, #tpu.memory_space<hbm>> -> memref<10240x128xf32, #tpu.memory_space<hbm>>
    tpu.enqueue_indirect_dma source(%dma_start3A_17 : memref<10240x128xf32, #tpu.memory_space<hbm>>) target(%arg9 : memref<128x128xf32, #tpu.memory_space<vmem>>) offsets(%dma_start3A_14 : memref<128xi32, #tpu.memory_space<vmem>>) semaphore(%arg11 : memref<!tpu.dma_semaphore, #tpu.memory_space<semaphore_mem>>)
    %dma_start3A_18 = arith.constant 1 : i32
    %dma_start3A_19 = arith.constant 0 : i32
    %dma_start3A_20 = tpu.memref_slice %arg7[%dma_start3A_18, %dma_start3A_19] : memref<40x128xi32, #tpu.memory_space<vmem>> -> memref<1x128xi32, #tpu.memory_space<vmem>>
    %dma_start3A_21 = tpu.memref_squeeze %dma_start3A_20 : memref<1x128xi32, #tpu.memory_space<vmem>> -> memref<128xi32, #tpu.memory_space<vmem>>
    %dma_start3A_22 = arith.constant 0 : i32
    %dma_start3A_23 = arith.constant 0 : i32
    %dma_start3A_24 = tpu.memref_slice %arg2[%dma_start3A_22, %dma_start3A_23] : memref<10240x128xf32, #tpu.memory_space<hbm>> -> memref<10240x128xf32, #tpu.memory_space<hbm>>
    tpu.enqueue_indirect_dma source(%dma_start3A_24 : memref<10240x128xf32, #tpu.memory_space<hbm>>) target(%arg10 : memref<128x128xf32, #tpu.memory_space<vmem>>) offsets(%dma_start3A_21 : memref<128xi32, #tpu.memory_space<vmem>>) semaphore(%arg12 : memref<!tpu.dma_semaphore, #tpu.memory_space<semaphore_mem>>)
    %scan3A_25 = arith.constant 0 : i32
    %scan3A_26 = arith.constant 20 : i32
    %scan3A_27 = arith.addi %scan3A_25, %scan3A_26 : i32
    %scan3A_28 = arith.constant 1 : i32
    scf.for %scan3A_84 = %scan3A_25 to %scan3A_27 step %scan3A_28  : i32 {
      %mul3A_85 = arith.constant 2 : i32
      %mul3A_86 = arith.muli %scan3A_84, %mul3A_85 : i32
      %add3A_87 = arith.constant 0 : i32
      %add3A_88 = arith.addi %add3A_87, %mul3A_86 : i32
      %dma_wait3A_89 = arith.constant 0 : i32
      %dma_wait3A_90 = tpu.memref_slice %arg7[%add3A_88, %dma_wait3A_89] : memref<40x128xi32, #tpu.memory_space<vmem>> -> memref<1x128xi32, #tpu.memory_space<vmem>>
      %dma_wait3A_91 = tpu.memref_squeeze %dma_wait3A_90 : memref<1x128xi32, #tpu.memory_space<vmem>> -> memref<128xi32, #tpu.memory_space<vmem>>
      %dma_wait3A_92 = arith.constant 0 : i32
      %dma_wait3A_93 = arith.constant 0 : i32
      %dma_wait3A_94 = tpu.memref_slice %arg2[%dma_wait3A_92, %dma_wait3A_93] : memref<10240x128xf32, #tpu.memory_space<hbm>> -> memref<10240x128xf32, #tpu.memory_space<hbm>>
      tpu.wait_indirect_dma semaphore(%arg11 : memref<!tpu.dma_semaphore, #tpu.memory_space<semaphore_mem>>) src(%dma_wait3A_94 : memref<10240x128xf32, #tpu.memory_space<hbm>>) dst(%arg9 : memref<128x128xf32, #tpu.memory_space<vmem>>)
      %dma_start3A_95 = arith.constant 0 : i32
      %dma_start3A_96 = tpu.memref_slice %arg8[%add3A_88, %dma_start3A_95] : memref<40x128xi32, #tpu.memory_space<vmem>> -> memref<1x128xi32, #tpu.memory_space<vmem>>
      %dma_start3A_97 = tpu.memref_squeeze %dma_start3A_96 : memref<1x128xi32, #tpu.memory_space<vmem>> -> memref<128xi32, #tpu.memory_space<vmem>>
      %dma_start3A_98 = arith.constant 0 : i32
      %dma_start3A_99 = arith.constant 0 : i32
      %dma_start3A_100 = tpu.memref_slice %arg6[%dma_start3A_98, %dma_start3A_99] : memref<10240x128xf32, #tpu.memory_space<vmem_shared>> -> memref<10240x128xf32, #tpu.memory_space<vmem_shared>>
      tpu.enqueue_indirect_dma source(%arg9 : memref<128x128xf32, #tpu.memory_space<vmem>>) target(%dma_start3A_100 : memref<10240x128xf32, #tpu.memory_space<vmem_shared>>) offsets(%dma_start3A_97 : memref<128xi32, #tpu.memory_space<vmem>>) semaphore(%arg13 : memref<!tpu.dma_semaphore, #tpu.memory_space<semaphore_mem>>) {add = true}
      %add3A_101 = arith.constant 1 : i32
      %add3A_102 = arith.addi %add3A_88, %add3A_101 : i32
      %dma_wait3A_103 = arith.constant 0 : i32
      %dma_wait3A_104 = tpu.memref_slice %arg7[%add3A_102, %dma_wait3A_103] : memref<40x128xi32, #tpu.memory_space<vmem>> -> memref<1x128xi32, #tpu.memory_space<vmem>>
      %dma_wait3A_105 = tpu.memref_squeeze %dma_wait3A_104 : memref<1x128xi32, #tpu.memory_space<vmem>> -> memref<128xi32, #tpu.memory_space<vmem>>
      %dma_wait3A_106 = arith.constant 0 : i32
      %dma_wait3A_107 = arith.constant 0 : i32
      %dma_wait3A_108 = tpu.memref_slice %arg2[%dma_wait3A_106, %dma_wait3A_107] : memref<10240x128xf32, #tpu.memory_space<hbm>> -> memref<10240x128xf32, #tpu.memory_space<hbm>>
      tpu.wait_indirect_dma semaphore(%arg12 : memref<!tpu.dma_semaphore, #tpu.memory_space<semaphore_mem>>) src(%dma_wait3A_108 : memref<10240x128xf32, #tpu.memory_space<hbm>>) dst(%arg10 : memref<128x128xf32, #tpu.memory_space<vmem>>)
      %add3A_109 = arith.constant 1 : i32
      %add3A_110 = arith.addi %add3A_88, %add3A_109 : i32
      %dma_start3A_111 = arith.constant 0 : i32
      %dma_start3A_112 = tpu.memref_slice %arg8[%add3A_110, %dma_start3A_111] : memref<40x128xi32, #tpu.memory_space<vmem>> -> memref<1x128xi32, #tpu.memory_space<vmem>>
      %dma_start3A_113 = tpu.memref_squeeze %dma_start3A_112 : memref<1x128xi32, #tpu.memory_space<vmem>> -> memref<128xi32, #tpu.memory_space<vmem>>
      %dma_start3A_114 = arith.constant 0 : i32
      %dma_start3A_115 = arith.constant 0 : i32
      %dma_start3A_116 = tpu.memref_slice %arg6[%dma_start3A_114, %dma_start3A_115] : memref<10240x128xf32, #tpu.memory_space<vmem_shared>> -> memref<10240x128xf32, #tpu.memory_space<vmem_shared>>
      tpu.enqueue_indirect_dma source(%arg10 : memref<128x128xf32, #tpu.memory_space<vmem>>) target(%dma_start3A_116 : memref<10240x128xf32, #tpu.memory_space<vmem_shared>>) offsets(%dma_start3A_113 : memref<128xi32, #tpu.memory_space<vmem>>) semaphore(%arg14 : memref<!tpu.dma_semaphore, #tpu.memory_space<semaphore_mem>>) {add = true}
      %add3A_117 = arith.constant 2 : i32
      %add3A_118 = arith.addi %add3A_88, %add3A_117 : i32
      %lt3A = arith.constant 40 : i32
      %lt3A_119 = arith.cmpi slt, %add3A_118, %lt3A : i32
      %convert_element_type3A = arith.extui %lt3A_119 : i1 to i32
      %cond3A = arith.constant 0 : i32
      %cond3A_120 = arith.cmpi ne, %convert_element_type3A, %cond3A : i32
      scf.if %cond3A_120 {
        %dma_wait3A_128 = arith.constant 0 : i32
        %dma_wait3A_129 = tpu.memref_slice %arg8[%add3A_88, %dma_wait3A_128] : memref<40x128xi32, #tpu.memory_space<vmem>> -> memref<1x128xi32, #tpu.memory_space<vmem>>
        %dma_wait3A_130 = tpu.memref_squeeze %dma_wait3A_129 : memref<1x128xi32, #tpu.memory_space<vmem>> -> memref<128xi32, #tpu.memory_space<vmem>>
        %dma_wait3A_131 = arith.constant 0 : i32
        %dma_wait3A_132 = arith.constant 0 : i32
        %dma_wait3A_133 = tpu.memref_slice %arg6[%dma_wait3A_131, %dma_wait3A_132] : memref<10240x128xf32, #tpu.memory_space<vmem_shared>> -> memref<10240x128xf32, #tpu.memory_space<vmem_shared>>
        tpu.wait_indirect_dma semaphore(%arg13 : memref<!tpu.dma_semaphore, #tpu.memory_space<semaphore_mem>>) src(%arg9 : memref<128x128xf32, #tpu.memory_space<vmem>>) dst(%dma_wait3A_133 : memref<10240x128xf32, #tpu.memory_space<vmem_shared>>)
        %add3A_134 = arith.constant 2 : i32
        %add3A_135 = arith.addi %add3A_88, %add3A_134 : i32
        %dma_start3A_136 = arith.constant 0 : i32
        %dma_start3A_137 = tpu.memref_slice %arg7[%add3A_135, %dma_start3A_136] : memref<40x128xi32, #tpu.memory_space<vmem>> -> memref<1x128xi32, #tpu.memory_space<vmem>>
        %dma_start3A_138 = tpu.memref_squeeze %dma_start3A_137 : memref<1x128xi32, #tpu.memory_space<vmem>> -> memref<128xi32, #tpu.memory_space<vmem>>
        %dma_start3A_139 = arith.constant 0 : i32
        %dma_start3A_140 = arith.constant 0 : i32
        %dma_start3A_141 = tpu.memref_slice %arg2[%dma_start3A_139, %dma_start3A_140] : memref<10240x128xf32, #tpu.memory_space<hbm>> -> memref<10240x128xf32, #tpu.memory_space<hbm>>
        tpu.enqueue_indirect_dma source(%dma_start3A_141 : memref<10240x128xf32, #tpu.memory_space<hbm>>) target(%arg9 : memref<128x128xf32, #tpu.memory_space<vmem>>) offsets(%dma_start3A_138 : memref<128xi32, #tpu.memory_space<vmem>>) semaphore(%arg11 : memref<!tpu.dma_semaphore, #tpu.memory_space<semaphore_mem>>)
      } else {
      }
      %add3A_121 = arith.constant 3 : i32
      %add3A_122 = arith.addi %add3A_88, %add3A_121 : i32
      %lt3A_123 = arith.constant 40 : i32
      %lt3A_124 = arith.cmpi slt, %add3A_122, %lt3A_123 : i32
      %convert_element_type3A_125 = arith.extui %lt3A_124 : i1 to i32
      %cond3A_126 = arith.constant 0 : i32
      %cond3A_127 = arith.cmpi ne, %convert_element_type3A_125, %cond3A_126 : i32
      scf.if %cond3A_127 {
        %add3A_128 = arith.constant 1 : i32
        %add3A_129 = arith.addi %add3A_88, %add3A_128 : i32
        %dma_wait3A_130 = arith.constant 0 : i32
        %dma_wait3A_131 = tpu.memref_slice %arg8[%add3A_129, %dma_wait3A_130] : memref<40x128xi32, #tpu.memory_space<vmem>> -> memref<1x128xi32, #tpu.memory_space<vmem>>
        %dma_wait3A_132 = tpu.memref_squeeze %dma_wait3A_131 : memref<1x128xi32, #tpu.memory_space<vmem>> -> memref<128xi32, #tpu.memory_space<vmem>>
        %dma_wait3A_133 = arith.constant 0 : i32
        %dma_wait3A_134 = arith.constant 0 : i32
        %dma_wait3A_135 = tpu.memref_slice %arg6[%dma_wait3A_133, %dma_wait3A_134] : memref<10240x128xf32, #tpu.memory_space<vmem_shared>> -> memref<10240x128xf32, #tpu.memory_space<vmem_shared>>
        tpu.wait_indirect_dma semaphore(%arg14 : memref<!tpu.dma_semaphore, #tpu.memory_space<semaphore_mem>>) src(%arg10 : memref<128x128xf32, #tpu.memory_space<vmem>>) dst(%dma_wait3A_135 : memref<10240x128xf32, #tpu.memory_space<vmem_shared>>)
        %add3A_136 = arith.constant 3 : i32
        %add3A_137 = arith.addi %add3A_88, %add3A_136 : i32
        %dma_start3A_138 = arith.constant 0 : i32
        %dma_start3A_139 = tpu.memref_slice %arg7[%add3A_137, %dma_start3A_138] : memref<40x128xi32, #tpu.memory_space<vmem>> -> memref<1x128xi32, #tpu.memory_space<vmem>>
        %dma_start3A_140 = tpu.memref_squeeze %dma_start3A_139 : memref<1x128xi32, #tpu.memory_space<vmem>> -> memref<128xi32, #tpu.memory_space<vmem>>
        %dma_start3A_141 = arith.constant 0 : i32
        %dma_start3A_142 = arith.constant 0 : i32
        %dma_start3A_143 = tpu.memref_slice %arg2[%dma_start3A_141, %dma_start3A_142] : memref<10240x128xf32, #tpu.memory_space<hbm>> -> memref<10240x128xf32, #tpu.memory_space<hbm>>
        tpu.enqueue_indirect_dma source(%dma_start3A_143 : memref<10240x128xf32, #tpu.memory_space<hbm>>) target(%arg10 : memref<128x128xf32, #tpu.memory_space<vmem>>) offsets(%dma_start3A_140 : memref<128xi32, #tpu.memory_space<vmem>>) semaphore(%arg12 : memref<!tpu.dma_semaphore, #tpu.memory_space<semaphore_mem>>)
      } else {
      }
    }
    %scan3A_29 = arith.constant 20 : i32
    %dma_wait3A = arith.constant 38 : i32
    %dma_wait3A_30 = arith.constant 0 : i32
    %dma_wait3A_31 = tpu.memref_slice %arg8[%dma_wait3A, %dma_wait3A_30] : memref<40x128xi32, #tpu.memory_space<vmem>> -> memref<1x128xi32, #tpu.memory_space<vmem>>
    %dma_wait3A_32 = tpu.memref_squeeze %dma_wait3A_31 : memref<1x128xi32, #tpu.memory_space<vmem>> -> memref<128xi32, #tpu.memory_space<vmem>>
    %dma_wait3A_33 = arith.constant 0 : i32
    %dma_wait3A_34 = arith.constant 0 : i32
    %dma_wait3A_35 = tpu.memref_slice %arg6[%dma_wait3A_33, %dma_wait3A_34] : memref<10240x128xf32, #tpu.memory_space<vmem_shared>> -> memref<10240x128xf32, #tpu.memory_space<vmem_shared>>
    tpu.wait_indirect_dma semaphore(%arg13 : memref<!tpu.dma_semaphore, #tpu.memory_space<semaphore_mem>>) src(%arg9 : memref<128x128xf32, #tpu.memory_space<vmem>>) dst(%dma_wait3A_35 : memref<10240x128xf32, #tpu.memory_space<vmem_shared>>)
    %dma_wait3A_36 = arith.constant 39 : i32
    %dma_wait3A_37 = arith.constant 0 : i32
    %dma_wait3A_38 = tpu.memref_slice %arg8[%dma_wait3A_36, %dma_wait3A_37] : memref<40x128xi32, #tpu.memory_space<vmem>> -> memref<1x128xi32, #tpu.memory_space<vmem>>
    %dma_wait3A_39 = tpu.memref_squeeze %dma_wait3A_38 : memref<1x128xi32, #tpu.memory_space<vmem>> -> memref<128xi32, #tpu.memory_space<vmem>>
    %dma_wait3A_40 = arith.constant 0 : i32
    %dma_wait3A_41 = arith.constant 0 : i32
    %dma_wait3A_42 = tpu.memref_slice %arg6[%dma_wait3A_40, %dma_wait3A_41] : memref<10240x128xf32, #tpu.memory_space<vmem_shared>> -> memref<10240x128xf32, #tpu.memory_space<vmem_shared>>
    tpu.wait_indirect_dma semaphore(%arg14 : memref<!tpu.dma_semaphore, #tpu.memory_space<semaphore_mem>>) src(%arg10 : memref<128x128xf32, #tpu.memory_space<vmem>>) dst(%dma_wait3A_42 : memref<10240x128xf32, #tpu.memory_space<vmem_shared>>)
    %run_scoped3A_43 = arith.constant 1 : i32
    "tpu.region"() ({
      %run_scoped3A_84 = tpu.sem_alloc : memref<!tpu.dma_semaphore, #tpu.memory_space<semaphore_mem>>
      %dma_start3A_85 = arith.constant 0 : i32
      %dma_start3A_86 = arith.constant 0 : i32
      %dma_start3A_87 = tpu.memref_slice %arg3[%add3A, %run_scoped3A_43, %dma_start3A_85, %dma_start3A_86] : memref<32x2x40x128xi32, #tpu.memory_space<hbm>> -> memref<1x1x40x128xi32, #tpu.memory_space<hbm>>
      %dma_start3A_88 = tpu.memref_squeeze %dma_start3A_87 : memref<1x1x40x128xi32, #tpu.memory_space<hbm>> -> memref<40x128xi32, #tpu.memory_space<hbm>>
      %dma_start3A_89 = arith.constant 0 : i32
      %dma_start3A_90 = arith.constant 0 : i32
      %dma_start3A_91 = tpu.memref_slice %arg3[%add3A, %run_scoped3A_43, %dma_start3A_89, %dma_start3A_90] : memref<32x2x40x128xi32, #tpu.memory_space<hbm>> -> memref<1x1x40x128xi32, #tpu.memory_space<hbm>>
      %dma_start3A_92 = tpu.memref_squeeze %dma_start3A_91 : memref<1x1x40x128xi32, #tpu.memory_space<hbm>> -> memref<40x128xi32, #tpu.memory_space<hbm>>
      tpu.enqueue_dma source(%dma_start3A_92 : memref<40x128xi32, #tpu.memory_space<hbm>>) target(%arg7 : memref<40x128xi32, #tpu.memory_space<vmem>>) target_semaphore(%run_scoped3A_84 : memref<!tpu.dma_semaphore, #tpu.memory_space<semaphore_mem>>)
      %dma_wait3A_93 = arith.constant 0 : i32
      %dma_wait3A_94 = arith.constant 0 : i32
      %dma_wait3A_95 = tpu.memref_slice %arg3[%add3A, %run_scoped3A_43, %dma_wait3A_93, %dma_wait3A_94] : memref<32x2x40x128xi32, #tpu.memory_space<hbm>> -> memref<1x1x40x128xi32, #tpu.memory_space<hbm>>
      %dma_wait3A_96 = tpu.memref_squeeze %dma_wait3A_95 : memref<1x1x40x128xi32, #tpu.memory_space<hbm>> -> memref<40x128xi32, #tpu.memory_space<hbm>>
      %dma_wait3A_97 = arith.constant 0 : i32
      %dma_wait3A_98 = arith.constant 0 : i32
      %dma_wait3A_99 = tpu.memref_slice %arg3[%add3A, %run_scoped3A_43, %dma_wait3A_97, %dma_wait3A_98] : memref<32x2x40x128xi32, #tpu.memory_space<hbm>> -> memref<1x1x40x128xi32, #tpu.memory_space<hbm>>
      %dma_wait3A_100 = tpu.memref_squeeze %dma_wait3A_99 : memref<1x1x40x128xi32, #tpu.memory_space<hbm>> -> memref<40x128xi32, #tpu.memory_space<hbm>>
      tpu.wait_dma2 semaphore(%run_scoped3A_84 : memref<!tpu.dma_semaphore, #tpu.memory_space<semaphore_mem>>) src(%dma_wait3A_100 : memref<40x128xi32, #tpu.memory_space<hbm>>) dst(%arg7 : memref<40x128xi32, #tpu.memory_space<vmem>>)
      tpu.yield
    }) : () -> ()
    %run_scoped3A_44 = arith.constant 1 : i32
    "tpu.region"() ({
      %run_scoped3A_84 = tpu.sem_alloc : memref<!tpu.dma_semaphore, #tpu.memory_space<semaphore_mem>>
      %dma_start3A_85 = arith.constant 0 : i32
      %dma_start3A_86 = arith.constant 0 : i32
      %dma_start3A_87 = tpu.memref_slice %arg4[%add3A, %run_scoped3A_44, %dma_start3A_85, %dma_start3A_86] : memref<32x2x40x128xi32, #tpu.memory_space<hbm>> -> memref<1x1x40x128xi32, #tpu.memory_space<hbm>>
      %dma_start3A_88 = tpu.memref_squeeze %dma_start3A_87 : memref<1x1x40x128xi32, #tpu.memory_space<hbm>> -> memref<40x128xi32, #tpu.memory_space<hbm>>
      %dma_start3A_89 = arith.constant 0 : i32
      %dma_start3A_90 = arith.constant 0 : i32
      %dma_start3A_91 = tpu.memref_slice %arg4[%add3A, %run_scoped3A_44, %dma_start3A_89, %dma_start3A_90] : memref<32x2x40x128xi32, #tpu.memory_space<hbm>> -> memref<1x1x40x128xi32, #tpu.memory_space<hbm>>
      %dma_start3A_92 = tpu.memref_squeeze %dma_start3A_91 : memref<1x1x40x128xi32, #tpu.memory_space<hbm>> -> memref<40x128xi32, #tpu.memory_space<hbm>>
      tpu.enqueue_dma source(%dma_start3A_92 : memref<40x128xi32, #tpu.memory_space<hbm>>) target(%arg8 : memref<40x128xi32, #tpu.memory_space<vmem>>) target_semaphore(%run_scoped3A_84 : memref<!tpu.dma_semaphore, #tpu.memory_space<semaphore_mem>>)
      %dma_wait3A_93 = arith.constant 0 : i32
      %dma_wait3A_94 = arith.constant 0 : i32
      %dma_wait3A_95 = tpu.memref_slice %arg4[%add3A, %run_scoped3A_44, %dma_wait3A_93, %dma_wait3A_94] : memref<32x2x40x128xi32, #tpu.memory_space<hbm>> -> memref<1x1x40x128xi32, #tpu.memory_space<hbm>>
      %dma_wait3A_96 = tpu.memref_squeeze %dma_wait3A_95 : memref<1x1x40x128xi32, #tpu.memory_space<hbm>> -> memref<40x128xi32, #tpu.memory_space<hbm>>
      %dma_wait3A_97 = arith.constant 0 : i32
      %dma_wait3A_98 = arith.constant 0 : i32
      %dma_wait3A_99 = tpu.memref_slice %arg4[%add3A, %run_scoped3A_44, %dma_wait3A_97, %dma_wait3A_98] : memref<32x2x40x128xi32, #tpu.memory_space<hbm>> -> memref<1x1x40x128xi32, #tpu.memory_space<hbm>>
      %dma_wait3A_100 = tpu.memref_squeeze %dma_wait3A_99 : memref<1x1x40x128xi32, #tpu.memory_space<hbm>> -> memref<40x128xi32, #tpu.memory_space<hbm>>
      tpu.wait_dma2 semaphore(%run_scoped3A_84 : memref<!tpu.dma_semaphore, #tpu.memory_space<semaphore_mem>>) src(%dma_wait3A_100 : memref<40x128xi32, #tpu.memory_space<hbm>>) dst(%arg8 : memref<40x128xi32, #tpu.memory_space<vmem>>)
      tpu.yield
    }) : () -> ()
    %dma_start3A_45 = arith.constant 0 : i32
    %dma_start3A_46 = arith.constant 0 : i32
    %dma_start3A_47 = tpu.memref_slice %arg7[%dma_start3A_45, %dma_start3A_46] : memref<40x128xi32, #tpu.memory_space<vmem>> -> memref<1x128xi32, #tpu.memory_space<vmem>>
    %dma_start3A_48 = tpu.memref_squeeze %dma_start3A_47 : memref<1x128xi32, #tpu.memory_space<vmem>> -> memref<128xi32, #tpu.memory_space<vmem>>
    %dma_start3A_49 = arith.constant 0 : i32
    %dma_start3A_50 = arith.constant 0 : i32
    %dma_start3A_51 = tpu.memref_slice %arg2[%dma_start3A_49, %dma_start3A_50] : memref<10240x128xf32, #tpu.memory_space<hbm>> -> memref<10240x128xf32, #tpu.memory_space<hbm>>
    tpu.enqueue_indirect_dma source(%dma_start3A_51 : memref<10240x128xf32, #tpu.memory_space<hbm>>) target(%arg9 : memref<128x128xf32, #tpu.memory_space<vmem>>) offsets(%dma_start3A_48 : memref<128xi32, #tpu.memory_space<vmem>>) semaphore(%arg11 : memref<!tpu.dma_semaphore, #tpu.memory_space<semaphore_mem>>)
    %dma_start3A_52 = arith.constant 1 : i32
    %dma_start3A_53 = arith.constant 0 : i32
    %dma_start3A_54 = tpu.memref_slice %arg7[%dma_start3A_52, %dma_start3A_53] : memref<40x128xi32, #tpu.memory_space<vmem>> -> memref<1x128xi32, #tpu.memory_space<vmem>>
    %dma_start3A_55 = tpu.memref_squeeze %dma_start3A_54 : memref<1x128xi32, #tpu.memory_space<vmem>> -> memref<128xi32, #tpu.memory_space<vmem>>
    %dma_start3A_56 = arith.constant 0 : i32
    %dma_start3A_57 = arith.constant 0 : i32
    %dma_start3A_58 = tpu.memref_slice %arg2[%dma_start3A_56, %dma_start3A_57] : memref<10240x128xf32, #tpu.memory_space<hbm>> -> memref<10240x128xf32, #tpu.memory_space<hbm>>
    tpu.enqueue_indirect_dma source(%dma_start3A_58 : memref<10240x128xf32, #tpu.memory_space<hbm>>) target(%arg10 : memref<128x128xf32, #tpu.memory_space<vmem>>) offsets(%dma_start3A_55 : memref<128xi32, #tpu.memory_space<vmem>>) semaphore(%arg12 : memref<!tpu.dma_semaphore, #tpu.memory_space<semaphore_mem>>)
    %scan3A_59 = arith.constant 0 : i32
    %scan3A_60 = arith.constant 20 : i32
    %scan3A_61 = arith.addi %scan3A_59, %scan3A_60 : i32
    %scan3A_62 = arith.constant 1 : i32
    scf.for %scan3A_84 = %scan3A_59 to %scan3A_61 step %scan3A_62  : i32 {
      %mul3A_85 = arith.constant 2 : i32
      %mul3A_86 = arith.muli %scan3A_84, %mul3A_85 : i32
      %add3A_87 = arith.constant 0 : i32
      %add3A_88 = arith.addi %add3A_87, %mul3A_86 : i32
      %dma_wait3A_89 = arith.constant 0 : i32
      %dma_wait3A_90 = tpu.memref_slice %arg7[%add3A_88, %dma_wait3A_89] : memref<40x128xi32, #tpu.memory_space<vmem>> -> memref<1x128xi32, #tpu.memory_space<vmem>>
      %dma_wait3A_91 = tpu.memref_squeeze %dma_wait3A_90 : memref<1x128xi32, #tpu.memory_space<vmem>> -> memref<128xi32, #tpu.memory_space<vmem>>
      %dma_wait3A_92 = arith.constant 0 : i32
      %dma_wait3A_93 = arith.constant 0 : i32
      %dma_wait3A_94 = tpu.memref_slice %arg2[%dma_wait3A_92, %dma_wait3A_93] : memref<10240x128xf32, #tpu.memory_space<hbm>> -> memref<10240x128xf32, #tpu.memory_space<hbm>>
      tpu.wait_indirect_dma semaphore(%arg11 : memref<!tpu.dma_semaphore, #tpu.memory_space<semaphore_mem>>) src(%dma_wait3A_94 : memref<10240x128xf32, #tpu.memory_space<hbm>>) dst(%arg9 : memref<128x128xf32, #tpu.memory_space<vmem>>)
      %dma_start3A_95 = arith.constant 0 : i32
      %dma_start3A_96 = tpu.memref_slice %arg8[%add3A_88, %dma_start3A_95] : memref<40x128xi32, #tpu.memory_space<vmem>> -> memref<1x128xi32, #tpu.memory_space<vmem>>
      %dma_start3A_97 = tpu.memref_squeeze %dma_start3A_96 : memref<1x128xi32, #tpu.memory_space<vmem>> -> memref<128xi32, #tpu.memory_space<vmem>>
      %dma_start3A_98 = arith.constant 0 : i32
      %dma_start3A_99 = arith.constant 0 : i32
      %dma_start3A_100 = tpu.memref_slice %arg6[%dma_start3A_98, %dma_start3A_99] : memref<10240x128xf32, #tpu.memory_space<vmem_shared>> -> memref<10240x128xf32, #tpu.memory_space<vmem_shared>>
      tpu.enqueue_indirect_dma source(%arg9 : memref<128x128xf32, #tpu.memory_space<vmem>>) target(%dma_start3A_100 : memref<10240x128xf32, #tpu.memory_space<vmem_shared>>) offsets(%dma_start3A_97 : memref<128xi32, #tpu.memory_space<vmem>>) semaphore(%arg13 : memref<!tpu.dma_semaphore, #tpu.memory_space<semaphore_mem>>) {add = true}
      %add3A_101 = arith.constant 1 : i32
      %add3A_102 = arith.addi %add3A_88, %add3A_101 : i32
      %dma_wait3A_103 = arith.constant 0 : i32
      %dma_wait3A_104 = tpu.memref_slice %arg7[%add3A_102, %dma_wait3A_103] : memref<40x128xi32, #tpu.memory_space<vmem>> -> memref<1x128xi32, #tpu.memory_space<vmem>>
      %dma_wait3A_105 = tpu.memref_squeeze %dma_wait3A_104 : memref<1x128xi32, #tpu.memory_space<vmem>> -> memref<128xi32, #tpu.memory_space<vmem>>
      %dma_wait3A_106 = arith.constant 0 : i32
      %dma_wait3A_107 = arith.constant 0 : i32
      %dma_wait3A_108 = tpu.memref_slice %arg2[%dma_wait3A_106, %dma_wait3A_107] : memref<10240x128xf32, #tpu.memory_space<hbm>> -> memref<10240x128xf32, #tpu.memory_space<hbm>>
      tpu.wait_indirect_dma semaphore(%arg12 : memref<!tpu.dma_semaphore, #tpu.memory_space<semaphore_mem>>) src(%dma_wait3A_108 : memref<10240x128xf32, #tpu.memory_space<hbm>>) dst(%arg10 : memref<128x128xf32, #tpu.memory_space<vmem>>)
      %add3A_109 = arith.constant 1 : i32
      %add3A_110 = arith.addi %add3A_88, %add3A_109 : i32
      %dma_start3A_111 = arith.constant 0 : i32
      %dma_start3A_112 = tpu.memref_slice %arg8[%add3A_110, %dma_start3A_111] : memref<40x128xi32, #tpu.memory_space<vmem>> -> memref<1x128xi32, #tpu.memory_space<vmem>>
      %dma_start3A_113 = tpu.memref_squeeze %dma_start3A_112 : memref<1x128xi32, #tpu.memory_space<vmem>> -> memref<128xi32, #tpu.memory_space<vmem>>
      %dma_start3A_114 = arith.constant 0 : i32
      %dma_start3A_115 = arith.constant 0 : i32
      %dma_start3A_116 = tpu.memref_slice %arg6[%dma_start3A_114, %dma_start3A_115] : memref<10240x128xf32, #tpu.memory_space<vmem_shared>> -> memref<10240x128xf32, #tpu.memory_space<vmem_shared>>
      tpu.enqueue_indirect_dma source(%arg10 : memref<128x128xf32, #tpu.memory_space<vmem>>) target(%dma_start3A_116 : memref<10240x128xf32, #tpu.memory_space<vmem_shared>>) offsets(%dma_start3A_113 : memref<128xi32, #tpu.memory_space<vmem>>) semaphore(%arg14 : memref<!tpu.dma_semaphore, #tpu.memory_space<semaphore_mem>>) {add = true}
      %add3A_117 = arith.constant 2 : i32
      %add3A_118 = arith.addi %add3A_88, %add3A_117 : i32
      %lt3A = arith.constant 40 : i32
      %lt3A_119 = arith.cmpi slt, %add3A_118, %lt3A : i32
      %convert_element_type3A = arith.extui %lt3A_119 : i1 to i32
      %cond3A = arith.constant 0 : i32
      %cond3A_120 = arith.cmpi ne, %convert_element_type3A, %cond3A : i32
      scf.if %cond3A_120 {
        %dma_wait3A_128 = arith.constant 0 : i32
        %dma_wait3A_129 = tpu.memref_slice %arg8[%add3A_88, %dma_wait3A_128] : memref<40x128xi32, #tpu.memory_space<vmem>> -> memref<1x128xi32, #tpu.memory_space<vmem>>
        %dma_wait3A_130 = tpu.memref_squeeze %dma_wait3A_129 : memref<1x128xi32, #tpu.memory_space<vmem>> -> memref<128xi32, #tpu.memory_space<vmem>>
        %dma_wait3A_131 = arith.constant 0 : i32
        %dma_wait3A_132 = arith.constant 0 : i32
        %dma_wait3A_133 = tpu.memref_slice %arg6[%dma_wait3A_131, %dma_wait3A_132] : memref<10240x128xf32, #tpu.memory_space<vmem_shared>> -> memref<10240x128xf32, #tpu.memory_space<vmem_shared>>
        tpu.wait_indirect_dma semaphore(%arg13 : memref<!tpu.dma_semaphore, #tpu.memory_space<semaphore_mem>>) src(%arg9 : memref<128x128xf32, #tpu.memory_space<vmem>>) dst(%dma_wait3A_133 : memref<10240x128xf32, #tpu.memory_space<vmem_shared>>)
        %add3A_134 = arith.constant 2 : i32
        %add3A_135 = arith.addi %add3A_88, %add3A_134 : i32
        %dma_start3A_136 = arith.constant 0 : i32
        %dma_start3A_137 = tpu.memref_slice %arg7[%add3A_135, %dma_start3A_136] : memref<40x128xi32, #tpu.memory_space<vmem>> -> memref<1x128xi32, #tpu.memory_space<vmem>>
        %dma_start3A_138 = tpu.memref_squeeze %dma_start3A_137 : memref<1x128xi32, #tpu.memory_space<vmem>> -> memref<128xi32, #tpu.memory_space<vmem>>
        %dma_start3A_139 = arith.constant 0 : i32
        %dma_start3A_140 = arith.constant 0 : i32
        %dma_start3A_141 = tpu.memref_slice %arg2[%dma_start3A_139, %dma_start3A_140] : memref<10240x128xf32, #tpu.memory_space<hbm>> -> memref<10240x128xf32, #tpu.memory_space<hbm>>
        tpu.enqueue_indirect_dma source(%dma_start3A_141 : memref<10240x128xf32, #tpu.memory_space<hbm>>) target(%arg9 : memref<128x128xf32, #tpu.memory_space<vmem>>) offsets(%dma_start3A_138 : memref<128xi32, #tpu.memory_space<vmem>>) semaphore(%arg11 : memref<!tpu.dma_semaphore, #tpu.memory_space<semaphore_mem>>)
      } else {
      }
      %add3A_121 = arith.constant 3 : i32
      %add3A_122 = arith.addi %add3A_88, %add3A_121 : i32
      %lt3A_123 = arith.constant 40 : i32
      %lt3A_124 = arith.cmpi slt, %add3A_122, %lt3A_123 : i32
      %convert_element_type3A_125 = arith.extui %lt3A_124 : i1 to i32
      %cond3A_126 = arith.constant 0 : i32
      %cond3A_127 = arith.cmpi ne, %convert_element_type3A_125, %cond3A_126 : i32
      scf.if %cond3A_127 {
        %add3A_128 = arith.constant 1 : i32
        %add3A_129 = arith.addi %add3A_88, %add3A_128 : i32
        %dma_wait3A_130 = arith.constant 0 : i32
        %dma_wait3A_131 = tpu.memref_slice %arg8[%add3A_129, %dma_wait3A_130] : memref<40x128xi32, #tpu.memory_space<vmem>> -> memref<1x128xi32, #tpu.memory_space<vmem>>
        %dma_wait3A_132 = tpu.memref_squeeze %dma_wait3A_131 : memref<1x128xi32, #tpu.memory_space<vmem>> -> memref<128xi32, #tpu.memory_space<vmem>>
        %dma_wait3A_133 = arith.constant 0 : i32
        %dma_wait3A_134 = arith.constant 0 : i32
        %dma_wait3A_135 = tpu.memref_slice %arg6[%dma_wait3A_133, %dma_wait3A_134] : memref<10240x128xf32, #tpu.memory_space<vmem_shared>> -> memref<10240x128xf32, #tpu.memory_space<vmem_shared>>
        tpu.wait_indirect_dma semaphore(%arg14 : memref<!tpu.dma_semaphore, #tpu.memory_space<semaphore_mem>>) src(%arg10 : memref<128x128xf32, #tpu.memory_space<vmem>>) dst(%dma_wait3A_135 : memref<10240x128xf32, #tpu.memory_space<vmem_shared>>)
        %add3A_136 = arith.constant 3 : i32
        %add3A_137 = arith.addi %add3A_88, %add3A_136 : i32
        %dma_start3A_138 = arith.constant 0 : i32
        %dma_start3A_139 = tpu.memref_slice %arg7[%add3A_137, %dma_start3A_138] : memref<40x128xi32, #tpu.memory_space<vmem>> -> memref<1x128xi32, #tpu.memory_space<vmem>>
        %dma_start3A_140 = tpu.memref_squeeze %dma_start3A_139 : memref<1x128xi32, #tpu.memory_space<vmem>> -> memref<128xi32, #tpu.memory_space<vmem>>
        %dma_start3A_141 = arith.constant 0 : i32
        %dma_start3A_142 = arith.constant 0 : i32
        %dma_start3A_143 = tpu.memref_slice %arg2[%dma_start3A_141, %dma_start3A_142] : memref<10240x128xf32, #tpu.memory_space<hbm>> -> memref<10240x128xf32, #tpu.memory_space<hbm>>
        tpu.enqueue_indirect_dma source(%dma_start3A_143 : memref<10240x128xf32, #tpu.memory_space<hbm>>) target(%arg10 : memref<128x128xf32, #tpu.memory_space<vmem>>) offsets(%dma_start3A_140 : memref<128xi32, #tpu.memory_space<vmem>>) semaphore(%arg12 : memref<!tpu.dma_semaphore, #tpu.memory_space<semaphore_mem>>)
      } else {
      }
    }
    %scan3A_63 = arith.constant 20 : i32
    %dma_wait3A_64 = arith.constant 38 : i32
    %dma_wait3A_65 = arith.constant 0 : i32
    %dma_wait3A_66 = tpu.memref_slice %arg8[%dma_wait3A_64, %dma_wait3A_65] : memref<40x128xi32, #tpu.memory_space<vmem>> -> memref<1x128xi32, #tpu.memory_space<vmem>>
    %dma_wait3A_67 = tpu.memref_squeeze %dma_wait3A_66 : memref<1x128xi32, #tpu.memory_space<vmem>> -> memref<128xi32, #tpu.memory_space<vmem>>
    %dma_wait3A_68 = arith.constant 0 : i32
    %dma_wait3A_69 = arith.constant 0 : i32
    %dma_wait3A_70 = tpu.memref_slice %arg6[%dma_wait3A_68, %dma_wait3A_69] : memref<10240x128xf32, #tpu.memory_space<vmem_shared>> -> memref<10240x128xf32, #tpu.memory_space<vmem_shared>>
    tpu.wait_indirect_dma semaphore(%arg13 : memref<!tpu.dma_semaphore, #tpu.memory_space<semaphore_mem>>) src(%arg9 : memref<128x128xf32, #tpu.memory_space<vmem>>) dst(%dma_wait3A_70 : memref<10240x128xf32, #tpu.memory_space<vmem_shared>>)
    %dma_wait3A_71 = arith.constant 39 : i32
    %dma_wait3A_72 = arith.constant 0 : i32
    %dma_wait3A_73 = tpu.memref_slice %arg8[%dma_wait3A_71, %dma_wait3A_72] : memref<40x128xi32, #tpu.memory_space<vmem>> -> memref<1x128xi32, #tpu.memory_space<vmem>>
    %dma_wait3A_74 = tpu.memref_squeeze %dma_wait3A_73 : memref<1x128xi32, #tpu.memory_space<vmem>> -> memref<128xi32, #tpu.memory_space<vmem>>
    %dma_wait3A_75 = arith.constant 0 : i32
    %dma_wait3A_76 = arith.constant 0 : i32
    %dma_wait3A_77 = tpu.memref_slice %arg6[%dma_wait3A_75, %dma_wait3A_76] : memref<10240x128xf32, #tpu.memory_space<vmem_shared>> -> memref<10240x128xf32, #tpu.memory_space<vmem_shared>>
    tpu.wait_indirect_dma semaphore(%arg14 : memref<!tpu.dma_semaphore, #tpu.memory_space<semaphore_mem>>) src(%arg10 : memref<128x128xf32, #tpu.memory_space<vmem>>) dst(%dma_wait3A_77 : memref<10240x128xf32, #tpu.memory_space<vmem_shared>>)
    %barrier3A_78 = arith.constant 0 : index
    tpu.barrier barrier_id(%barrier3A_78)
    %scan3A_79 = arith.constant 0 : i32
    %scan3A_80 = arith.constant 5 : i32
    %scan3A_81 = arith.addi %scan3A_79, %scan3A_80 : i32
    %scan3A_82 = arith.constant 1 : i32
    scf.for %scan3A_84 = %scan3A_79 to %scan3A_81 step %scan3A_82  : i32 {
      %mul3A_85 = arith.constant 128 : i32
      %mul3A_86 = arith.muli %scan3A_84, %mul3A_85 : i32
      %add3A_87 = arith.constant 0 : i32
      %add3A_88 = arith.addi %add3A_87, %mul3A_86 : i32
      %mul3A_89 = arith.constant 640 : i32
      %mul3A_90 = arith.muli %arg1, %mul3A_89 : i32
      %add3A_91 = arith.addi %mul3A_90, %add3A_88 : i32
      "tpu.region"() ({
        %run_scoped3A_92 = tpu.sem_alloc : memref<!tpu.dma_semaphore, #tpu.memory_space<semaphore_mem>>
        %dma_start3A_93 = arith.constant 0 : i32
        %dma_start3A_94 = tpu.memref_slice %arg5[%arg0, %add3A_91, %dma_start3A_93] : memref<2x10240x128xf32, #tpu.memory_space<hbm>> -> memref<1x128x128xf32, #tpu.memory_space<hbm>>
        %dma_start3A_95 = tpu.memref_squeeze %dma_start3A_94 : memref<1x128x128xf32, #tpu.memory_space<hbm>> -> memref<128x128xf32, #tpu.memory_space<hbm>>
        %dma_start3A_96 = arith.constant 0 : i32
        %dma_start3A_97 = tpu.memref_slice %arg6[%add3A_91, %dma_start3A_96] : memref<10240x128xf32, #tpu.memory_space<vmem_shared>> -> memref<128x128xf32, #tpu.memory_space<vmem_shared>>
        tpu.enqueue_dma source(%dma_start3A_97 : memref<128x128xf32, #tpu.memory_space<vmem_shared>>) target(%dma_start3A_95 : memref<128x128xf32, #tpu.memory_space<hbm>>) target_semaphore(%run_scoped3A_92 : memref<!tpu.dma_semaphore, #tpu.memory_space<semaphore_mem>>)
        %dma_wait3A_98 = arith.constant 0 : i32
        %dma_wait3A_99 = tpu.memref_slice %arg5[%arg0, %add3A_91, %dma_wait3A_98] : memref<2x10240x128xf32, #tpu.memory_space<hbm>> -> memref<1x128x128xf32, #tpu.memory_space<hbm>>
        %dma_wait3A_100 = tpu.memref_squeeze %dma_wait3A_99 : memref<1x128x128xf32, #tpu.memory_space<hbm>> -> memref<128x128xf32, #tpu.memory_space<hbm>>
        %dma_wait3A_101 = arith.constant 0 : i32
        %dma_wait3A_102 = tpu.memref_slice %arg6[%add3A_91, %dma_wait3A_101] : memref<10240x128xf32, #tpu.memory_space<vmem_shared>> -> memref<128x128xf32, #tpu.memory_space<vmem_shared>>
        tpu.wait_dma2 semaphore(%run_scoped3A_92 : memref<!tpu.dma_semaphore, #tpu.memory_space<semaphore_mem>>) src(%dma_wait3A_102 : memref<128x128xf32, #tpu.memory_space<vmem_shared>>) dst(%dma_wait3A_100 : memref<128x128xf32, #tpu.memory_space<hbm>>)
        tpu.yield
      }) : () -> ()
    }
    %scan3A_83 = arith.constant 5 : i32
    return
  }
}

#map = affine_map<(d0, d1) -> (0, 0)>
#map1 = affine_map<(d0, d1) -> (0, 0, 0)>
module attributes {stable_mosaic.version = 14 : i64} {
  func.func @_deg_body(%arg0: i32, %arg1: i32, %arg2: memref<32x10240xi32, #tpu.memory_space<hbm>>, %arg3: memref<32x10240xi32, #tpu.memory_space<hbm>>, %arg4: memref<32x2x10240xf32, #tpu.memory_space<hbm>>, %arg5: memref<10240xi32, #tpu.memory_space<vmem>>, %arg6: memref<10240xi32, #tpu.memory_space<vmem>>, %arg7: memref<10240xf32, #tpu.memory_space<vmem>>, %arg8: memref<10240xf32, #tpu.memory_space<vmem>>) attributes {dimension_semantics = [#tpu.dimension_semantics<core_parallel>, #tpu.dimension_semantics<subcore_parallel>], iteration_bounds = array<i64: 2, 16>, scalar_prefetch = 0 : i64, scratch_operands = 4 : i64, tpu.core_type = #tpu.core_type<sc_vector_subcore>, window_params = [{transform_indices = #map}, {transform_indices = #map}, {transform_indices = #map1}]} {
    %mul3A = arith.constant 16 : i32
    %mul3A_0 = arith.muli %arg0, %mul3A : i32
    %add3A = arith.addi %mul3A_0, %arg1 : i32
    %broadcast_in_dim3A = arith.constant 0.000000e+00 : f32
    %broadcast_in_dim3A_1 = vector.broadcast %broadcast_in_dim3A : f32 to vector<16xf32>
    %broadcast_in_dim3A_2 = arith.constant 1.000000e+00 : f32
    %broadcast_in_dim3A_3 = vector.broadcast %broadcast_in_dim3A_2 : f32 to vector<16xf32>
    "tpu.region"() ({
      %run_scoped3A_14 = tpu.sem_alloc : memref<!tpu.dma_semaphore, #tpu.memory_space<semaphore_mem>>
      %dma_start3A = arith.constant 0 : i32
      %dma_start3A_15 = tpu.memref_slice %arg2[%add3A, %dma_start3A] : memref<32x10240xi32, #tpu.memory_space<hbm>> -> memref<1x10240xi32, #tpu.memory_space<hbm>>
      %dma_start3A_16 = tpu.memref_squeeze %dma_start3A_15 : memref<1x10240xi32, #tpu.memory_space<hbm>> -> memref<10240xi32, #tpu.memory_space<hbm>>
      %dma_start3A_17 = arith.constant 0 : i32
      %dma_start3A_18 = tpu.memref_slice %arg2[%add3A, %dma_start3A_17] : memref<32x10240xi32, #tpu.memory_space<hbm>> -> memref<1x10240xi32, #tpu.memory_space<hbm>>
      %dma_start3A_19 = tpu.memref_squeeze %dma_start3A_18 : memref<1x10240xi32, #tpu.memory_space<hbm>> -> memref<10240xi32, #tpu.memory_space<hbm>>
      tpu.enqueue_dma source(%dma_start3A_19 : memref<10240xi32, #tpu.memory_space<hbm>>) target(%arg5 : memref<10240xi32, #tpu.memory_space<vmem>>) target_semaphore(%run_scoped3A_14 : memref<!tpu.dma_semaphore, #tpu.memory_space<semaphore_mem>>)
      %dma_wait3A = arith.constant 0 : i32
      %dma_wait3A_20 = tpu.memref_slice %arg2[%add3A, %dma_wait3A] : memref<32x10240xi32, #tpu.memory_space<hbm>> -> memref<1x10240xi32, #tpu.memory_space<hbm>>
      %dma_wait3A_21 = tpu.memref_squeeze %dma_wait3A_20 : memref<1x10240xi32, #tpu.memory_space<hbm>> -> memref<10240xi32, #tpu.memory_space<hbm>>
      %dma_wait3A_22 = arith.constant 0 : i32
      %dma_wait3A_23 = tpu.memref_slice %arg2[%add3A, %dma_wait3A_22] : memref<32x10240xi32, #tpu.memory_space<hbm>> -> memref<1x10240xi32, #tpu.memory_space<hbm>>
      %dma_wait3A_24 = tpu.memref_squeeze %dma_wait3A_23 : memref<1x10240xi32, #tpu.memory_space<hbm>> -> memref<10240xi32, #tpu.memory_space<hbm>>
      tpu.wait_dma2 semaphore(%run_scoped3A_14 : memref<!tpu.dma_semaphore, #tpu.memory_space<semaphore_mem>>) src(%dma_wait3A_24 : memref<10240xi32, #tpu.memory_space<hbm>>) dst(%arg5 : memref<10240xi32, #tpu.memory_space<vmem>>)
      tpu.yield
    }) : () -> ()
    "tpu.region"() ({
      %run_scoped3A_14 = tpu.sem_alloc : memref<!tpu.dma_semaphore, #tpu.memory_space<semaphore_mem>>
      %dma_start3A = arith.constant 0 : i32
      %dma_start3A_15 = tpu.memref_slice %arg3[%add3A, %dma_start3A] : memref<32x10240xi32, #tpu.memory_space<hbm>> -> memref<1x10240xi32, #tpu.memory_space<hbm>>
      %dma_start3A_16 = tpu.memref_squeeze %dma_start3A_15 : memref<1x10240xi32, #tpu.memory_space<hbm>> -> memref<10240xi32, #tpu.memory_space<hbm>>
      %dma_start3A_17 = arith.constant 0 : i32
      %dma_start3A_18 = tpu.memref_slice %arg3[%add3A, %dma_start3A_17] : memref<32x10240xi32, #tpu.memory_space<hbm>> -> memref<1x10240xi32, #tpu.memory_space<hbm>>
      %dma_start3A_19 = tpu.memref_squeeze %dma_start3A_18 : memref<1x10240xi32, #tpu.memory_space<hbm>> -> memref<10240xi32, #tpu.memory_space<hbm>>
      tpu.enqueue_dma source(%dma_start3A_19 : memref<10240xi32, #tpu.memory_space<hbm>>) target(%arg6 : memref<10240xi32, #tpu.memory_space<vmem>>) target_semaphore(%run_scoped3A_14 : memref<!tpu.dma_semaphore, #tpu.memory_space<semaphore_mem>>)
      %dma_wait3A = arith.constant 0 : i32
      %dma_wait3A_20 = tpu.memref_slice %arg3[%add3A, %dma_wait3A] : memref<32x10240xi32, #tpu.memory_space<hbm>> -> memref<1x10240xi32, #tpu.memory_space<hbm>>
      %dma_wait3A_21 = tpu.memref_squeeze %dma_wait3A_20 : memref<1x10240xi32, #tpu.memory_space<hbm>> -> memref<10240xi32, #tpu.memory_space<hbm>>
      %dma_wait3A_22 = arith.constant 0 : i32
      %dma_wait3A_23 = tpu.memref_slice %arg3[%add3A, %dma_wait3A_22] : memref<32x10240xi32, #tpu.memory_space<hbm>> -> memref<1x10240xi32, #tpu.memory_space<hbm>>
      %dma_wait3A_24 = tpu.memref_squeeze %dma_wait3A_23 : memref<1x10240xi32, #tpu.memory_space<hbm>> -> memref<10240xi32, #tpu.memory_space<hbm>>
      tpu.wait_dma2 semaphore(%run_scoped3A_14 : memref<!tpu.dma_semaphore, #tpu.memory_space<semaphore_mem>>) src(%dma_wait3A_24 : memref<10240xi32, #tpu.memory_space<hbm>>) dst(%arg6 : memref<10240xi32, #tpu.memory_space<vmem>>)
      tpu.yield
    }) : () -> ()
    %scan3A = arith.constant 0 : i32
    %scan3A_4 = arith.constant 640 : i32
    %scan3A_5 = arith.addi %scan3A, %scan3A_4 : i32
    %scan3A_6 = arith.constant 1 : i32
    scf.for %scan3A_14 = %scan3A to %scan3A_5 step %scan3A_6  : i32 {
      %mul3A_15 = arith.constant 16 : i32
      %mul3A_16 = arith.muli %scan3A_14, %mul3A_15 : i32
      %add3A_17 = arith.constant 0 : i32
      %add3A_18 = arith.addi %add3A_17, %mul3A_16 : i32
      %swap3A = arith.index_cast %add3A_18 : i32 to index
      %swap3A_19 = tpu.vector_load %arg7[%swap3A] {strides = array<i32>} : memref<10240xf32, #tpu.memory_space<vmem>>, vector<16xf32>,
      tpu.vector_store %arg7[%swap3A], %broadcast_in_dim3A_1 {strides = array<i32>} : memref<10240xf32, #tpu.memory_space<vmem>>, vector<16xf32>,
      %swap3A_20 = arith.index_cast %add3A_18 : i32 to index
      %swap3A_21 = tpu.vector_load %arg8[%swap3A_20] {strides = array<i32>} : memref<10240xf32, #tpu.memory_space<vmem>>, vector<16xf32>,
      tpu.vector_store %arg8[%swap3A_20], %broadcast_in_dim3A_1 {strides = array<i32>} : memref<10240xf32, #tpu.memory_space<vmem>>, vector<16xf32>,
    }
    %scan3A_7 = arith.constant 640 : i32
    %scan3A_8 = arith.constant 0 : i32
    %scan3A_9 = arith.constant 640 : i32
    %scan3A_10 = arith.addi %scan3A_8, %scan3A_9 : i32
    %scan3A_11 = arith.constant 1 : i32
    scf.for %scan3A_14 = %scan3A_8 to %scan3A_10 step %scan3A_11  : i32 {
      %mul3A_15 = arith.constant 16 : i32
      %mul3A_16 = arith.muli %scan3A_14, %mul3A_15 : i32
      %add3A_17 = arith.constant 0 : i32
      %add3A_18 = arith.addi %add3A_17, %mul3A_16 : i32
      %get3A = arith.index_cast %add3A_18 : i32 to index
      %get3A_19 = tpu.vector_load %arg5[%get3A] {strides = array<i32>} : memref<10240xi32, #tpu.memory_space<vmem>>, vector<16xi32>,
      tpu.vector_store_idx %arg7[%get3A_19], %broadcast_in_dim3A_3 {add = true} : memref<10240xf32, #tpu.memory_space<vmem>>[vector<16xi32>], vector<16xf32>,
      %get3A_20 = arith.index_cast %add3A_18 : i32 to index
      %get3A_21 = tpu.vector_load %arg6[%get3A_20] {strides = array<i32>} : memref<10240xi32, #tpu.memory_space<vmem>>, vector<16xi32>,
      tpu.vector_store_idx %arg8[%get3A_21], %broadcast_in_dim3A_3 {add = true} : memref<10240xf32, #tpu.memory_space<vmem>>[vector<16xi32>], vector<16xf32>,
    }
    %scan3A_12 = arith.constant 640 : i32
    %run_scoped3A = arith.constant 0 : i32
    "tpu.region"() ({
      %run_scoped3A_14 = tpu.sem_alloc : memref<!tpu.dma_semaphore, #tpu.memory_space<semaphore_mem>>
      %dma_start3A = arith.constant 0 : i32
      %dma_start3A_15 = tpu.memref_slice %arg4[%add3A, %run_scoped3A, %dma_start3A] : memref<32x2x10240xf32, #tpu.memory_space<hbm>> -> memref<1x1x10240xf32, #tpu.memory_space<hbm>>
      %dma_start3A_16 = tpu.memref_squeeze %dma_start3A_15 : memref<1x1x10240xf32, #tpu.memory_space<hbm>> -> memref<10240xf32, #tpu.memory_space<hbm>>
      %dma_start3A_17 = arith.constant 0 : i32
      %dma_start3A_18 = tpu.memref_slice %arg4[%add3A, %run_scoped3A, %dma_start3A_17] : memref<32x2x10240xf32, #tpu.memory_space<hbm>> -> memref<1x1x10240xf32, #tpu.memory_space<hbm>>
      %dma_start3A_19 = tpu.memref_squeeze %dma_start3A_18 : memref<1x1x10240xf32, #tpu.memory_space<hbm>> -> memref<10240xf32, #tpu.memory_space<hbm>>
      tpu.enqueue_dma source(%arg7 : memref<10240xf32, #tpu.memory_space<vmem>>) target(%dma_start3A_19 : memref<10240xf32, #tpu.memory_space<hbm>>) target_semaphore(%run_scoped3A_14 : memref<!tpu.dma_semaphore, #tpu.memory_space<semaphore_mem>>)
      %dma_wait3A = arith.constant 0 : i32
      %dma_wait3A_20 = tpu.memref_slice %arg4[%add3A, %run_scoped3A, %dma_wait3A] : memref<32x2x10240xf32, #tpu.memory_space<hbm>> -> memref<1x1x10240xf32, #tpu.memory_space<hbm>>
      %dma_wait3A_21 = tpu.memref_squeeze %dma_wait3A_20 : memref<1x1x10240xf32, #tpu.memory_space<hbm>> -> memref<10240xf32, #tpu.memory_space<hbm>>
      %dma_wait3A_22 = arith.constant 0 : i32
      %dma_wait3A_23 = tpu.memref_slice %arg4[%add3A, %run_scoped3A, %dma_wait3A_22] : memref<32x2x10240xf32, #tpu.memory_space<hbm>> -> memref<1x1x10240xf32, #tpu.memory_space<hbm>>
      %dma_wait3A_24 = tpu.memref_squeeze %dma_wait3A_23 : memref<1x1x10240xf32, #tpu.memory_space<hbm>> -> memref<10240xf32, #tpu.memory_space<hbm>>
      tpu.wait_dma2 semaphore(%run_scoped3A_14 : memref<!tpu.dma_semaphore, #tpu.memory_space<semaphore_mem>>) src(%arg7 : memref<10240xf32, #tpu.memory_space<vmem>>) dst(%dma_wait3A_24 : memref<10240xf32, #tpu.memory_space<hbm>>)
      tpu.yield
    }) : () -> ()
    %run_scoped3A_13 = arith.constant 1 : i32
    "tpu.region"() ({
      %run_scoped3A_14 = tpu.sem_alloc : memref<!tpu.dma_semaphore, #tpu.memory_space<semaphore_mem>>
      %dma_start3A = arith.constant 0 : i32
      %dma_start3A_15 = tpu.memref_slice %arg4[%add3A, %run_scoped3A_13, %dma_start3A] : memref<32x2x10240xf32, #tpu.memory_space<hbm>> -> memref<1x1x10240xf32, #tpu.memory_space<hbm>>
      %dma_start3A_16 = tpu.memref_squeeze %dma_start3A_15 : memref<1x1x10240xf32, #tpu.memory_space<hbm>> -> memref<10240xf32, #tpu.memory_space<hbm>>
      %dma_start3A_17 = arith.constant 0 : i32
      %dma_start3A_18 = tpu.memref_slice %arg4[%add3A, %run_scoped3A_13, %dma_start3A_17] : memref<32x2x10240xf32, #tpu.memory_space<hbm>> -> memref<1x1x10240xf32, #tpu.memory_space<hbm>>
      %dma_start3A_19 = tpu.memref_squeeze %dma_start3A_18 : memref<1x1x10240xf32, #tpu.memory_space<hbm>> -> memref<10240xf32, #tpu.memory_space<hbm>>
      tpu.enqueue_dma source(%arg8 : memref<10240xf32, #tpu.memory_space<vmem>>) target(%dma_start3A_19 : memref<10240xf32, #tpu.memory_space<hbm>>) target_semaphore(%run_scoped3A_14 : memref<!tpu.dma_semaphore, #tpu.memory_space<semaphore_mem>>)
      %dma_wait3A = arith.constant 0 : i32
      %dma_wait3A_20 = tpu.memref_slice %arg4[%add3A, %run_scoped3A_13, %dma_wait3A] : memref<32x2x10240xf32, #tpu.memory_space<hbm>> -> memref<1x1x10240xf32, #tpu.memory_space<hbm>>
      %dma_wait3A_21 = tpu.memref_squeeze %dma_wait3A_20 : memref<1x1x10240xf32, #tpu.memory_space<hbm>> -> memref<10240xf32, #tpu.memory_space<hbm>>
      %dma_wait3A_22 = arith.constant 0 : i32
      %dma_wait3A_23 = tpu.memref_slice %arg4[%add3A, %run_scoped3A_13, %dma_wait3A_22] : memref<32x2x10240xf32, #tpu.memory_space<hbm>> -> memref<1x1x10240xf32, #tpu.memory_space<hbm>>
      %dma_wait3A_24 = tpu.memref_squeeze %dma_wait3A_23 : memref<1x1x10240xf32, #tpu.memory_space<hbm>> -> memref<10240xf32, #tpu.memory_space<hbm>>
      tpu.wait_dma2 semaphore(%run_scoped3A_14 : memref<!tpu.dma_semaphore, #tpu.memory_space<semaphore_mem>>) src(%arg8 : memref<10240xf32, #tpu.memory_space<vmem>>) dst(%dma_wait3A_24 : memref<10240xf32, #tpu.memory_space<hbm>>)
      tpu.yield
    }) : () -> ()
    return
  }
}

module attributes {stable_mosaic.version = 14 : i64} {
  func.func @_mm_norm_body(%arg0: i32, %arg1: memref<1024x128xf32, #tpu.memory_space<vmem>>, %arg2: memref<128x128xf32, #tpu.memory_space<vmem>>, %arg3: memref<32x2x1024xf32, #tpu.memory_space<vmem>>, %arg4: memref<1024x128xf32, #tpu.memory_space<vmem>>, %arg5: memref<1024x128xf32, #tpu.memory_space<vmem>>, %arg6: memref<1024x128xf32, #tpu.memory_space<vmem>>) attributes {dimension_semantics = [#tpu.dimension_semantics<arbitrary>], iteration_bounds = array<i64: 10>, scalar_prefetch = 0 : i64, scratch_operands = 0 : i64, tpu.core_type = #tpu.core_type<tc>, window_params = [{transform_indices = @transform_0, window_bounds = array<i64: 1024, 128>}, {pipeline_mode = #tpu.pipeline_mode<synchronous>, transform_indices = @transform_1, window_bounds = array<i64: 128, 128>}, {transform_indices = @transform_2, window_bounds = array<i64: 32, 2, 1024>}, {transform_indices = @transform_3, window_bounds = array<i64: 1024, 128>}, {transform_indices = @transform_4, window_bounds = array<i64: 1024, 128>}, {transform_indices = @transform_5, window_bounds = array<i64: 1024, 128>}]} {
    %get3A = arith.constant 0 : index
    %get3A_0 = arith.constant 0 : index
    %get3A_1 = arith.constant 0 : index
    %get3A_2 = vector.load %arg3[%get3A, %get3A_0, %get3A_1] : memref<32x2x1024xf32, #tpu.memory_space<vmem>>, vector<32x2x1024xf32>
    %reduce_sum3A = arith.constant dense<0.000000e+00> : vector<2x1024xf32>
    %reduce_sum3A_3 = vector.multi_reduction <add>, %get3A_2, %reduce_sum3A [0] : vector<32x2x1024xf32> to vector<2x1024xf32>
    %gt3A = arith.constant 0.000000e+00 : f32
    %gt3A_4 = vector.broadcast %gt3A : f32 to vector<2x1024xf32>
    %gt3A_5 = arith.cmpf ogt, %reduce_sum3A_3, %gt3A_4 : vector<2x1024xf32>
    %max3A = arith.constant 1.000000e+00 : f32
    %max3A_6 = vector.broadcast %max3A : f32 to vector<2x1024xf32>
    %max3A_7 = arith.maximumf %reduce_sum3A_3, %max3A_6 : vector<2x1024xf32>
    %rsqrt3A = math.rsqrt %max3A_7 : vector<2x1024xf32>
    %jit3A = arith.constant 0.000000e+00 : f32
    %broadcast_in_dim3A = vector.broadcast %jit3A : f32 to vector<2x1024xf32>
    %select_n3A = arith.select %gt3A_5, %rsqrt3A, %broadcast_in_dim3A : vector<2x1024xi1>, vector<2x1024xf32>
    %slice3A = vector.extract_strided_slice %select_n3A {offsets = [0, 0], sizes = [1, 1024], strides = [1, 1]} : vector<2x1024xf32> to vector<1x1024xf32>
    %squeeze3A = vector.shape_cast %slice3A : vector<1x1024xf32> to vector<1024xf32>
    %broadcast_in_dim3A_8 = vector.shape_cast %squeeze3A : vector<1024xf32> to vector<1024x1xf32>
    %broadcast_in_dim3A_9 = vector.shape_cast %broadcast_in_dim3A_8 : vector<1024x1xf32> to vector<1024x1xf32>
    %broadcast_in_dim3A_10 = vector.broadcast %broadcast_in_dim3A_9 : vector<1024x1xf32> to vector<1024x128xf32>
    %slice3A_11 = vector.extract_strided_slice %select_n3A {offsets = [1, 0], sizes = [1, 1024], strides = [1, 1]} : vector<2x1024xf32> to vector<1x1024xf32>
    %squeeze3A_12 = vector.shape_cast %slice3A_11 : vector<1x1024xf32> to vector<1024xf32>
    %broadcast_in_dim3A_13 = vector.shape_cast %squeeze3A_12 : vector<1024xf32> to vector<1024x1xf32>
    %broadcast_in_dim3A_14 = vector.shape_cast %broadcast_in_dim3A_13 : vector<1024x1xf32> to vector<1024x1xf32>
    %broadcast_in_dim3A_15 = vector.broadcast %broadcast_in_dim3A_14 : vector<1024x1xf32> to vector<1024x128xf32>
    %swap3A = arith.constant 0 : index
    %swap3A_16 = arith.constant 0 : index
    %swap3A_17 = vector.load %arg5[%swap3A, %swap3A_16] : memref<1024x128xf32, #tpu.memory_space<vmem>>, vector<1024x128xf32>
    tpu.vector_store %arg5[%swap3A, %swap3A_16], %broadcast_in_dim3A_10 {strides = array<i32>} : memref<1024x128xf32, #tpu.memory_space<vmem>>, vector<1024x128xf32>,
    %swap3A_18 = arith.constant 0 : index
    %swap3A_19 = arith.constant 0 : index
    %swap3A_20 = vector.load %arg6[%swap3A_18, %swap3A_19] : memref<1024x128xf32, #tpu.memory_space<vmem>>, vector<1024x128xf32>
    tpu.vector_store %arg6[%swap3A_18, %swap3A_19], %broadcast_in_dim3A_15 {strides = array<i32>} : memref<1024x128xf32, #tpu.memory_space<vmem>>, vector<1024x128xf32>,
    %get3A_21 = arith.constant 0 : index
    %get3A_22 = arith.constant 0 : index
    %get3A_23 = vector.load %arg1[%get3A_21, %get3A_22] : memref<1024x128xf32, #tpu.memory_space<vmem>>, vector<1024x128xf32>
    %get3A_24 = arith.constant 0 : index
    %get3A_25 = arith.constant 0 : index
    %get3A_26 = vector.load %arg2[%get3A_24, %get3A_25] : memref<128x128xf32, #tpu.memory_space<vmem>>, vector<128x128xf32>
    %dot_general3A = arith.constant dense<0.000000e+00> : vector<1024x128xf32>
    %dot_general3A_27 = tpu.matmul %get3A_23, %get3A_26, %dot_general3A {dimension_numbers = #tpu.dot_dimension_numbers<[1], [0], [0], [1], [0, 0, 1, 1], [], []>, precision = #tpu.contract_precision<fp32>, transpose_lhs_hint = false} : vector<1024x128xf32>, vector<128x128xf32>, vector<1024x128xf32> -> vector<1024x128xf32>
    %mul3A = arith.mulf %dot_general3A_27, %broadcast_in_dim3A_10 : vector<1024x128xf32>
    %swap3A_28 = arith.constant 0 : index
    %swap3A_29 = arith.constant 0 : index
    %swap3A_30 = vector.load %arg4[%swap3A_28, %swap3A_29] : memref<1024x128xf32, #tpu.memory_space<vmem>>, vector<1024x128xf32>
    tpu.vector_store %arg4[%swap3A_28, %swap3A_29], %mul3A {strides = array<i32>} : memref<1024x128xf32, #tpu.memory_space<vmem>>, vector<1024x128xf32>,
    return
  }
  func.func @transform_0(%arg0: i32) -> (i32, i32) {
    %c0_i32 = arith.constant 0 : i32
    %c0_i32_0 = arith.constant 0 : i32
    return %arg0, %c0_i32 : i32, i32
  }
  func.func @transform_1(%arg0: i32) -> (i32, i32) {
    %c0_i32 = arith.constant 0 : i32
    %c0_i32_0 = arith.constant 0 : i32
    %c0_i32_1 = arith.constant 0 : i32
    return %c0_i32, %c0_i32_0 : i32, i32
  }
  func.func @transform_2(%arg0: i32) -> (i32, i32, i32) {
    %c0_i32 = arith.constant 0 : i32
    %c0_i32_0 = arith.constant 0 : i32
    %c0_i32_1 = arith.constant 0 : i32
    return %c0_i32, %c0_i32_0, %arg0 : i32, i32, i32
  }
  func.func @transform_3(%arg0: i32) -> (i32, i32) {
    %c0_i32 = arith.constant 0 : i32
    %c0_i32_0 = arith.constant 0 : i32
    return %arg0, %c0_i32 : i32, i32
  }
  func.func @transform_4(%arg0: i32) -> (i32, i32) {
    %c0_i32 = arith.constant 0 : i32
    %c0_i32_0 = arith.constant 0 : i32
    return %arg0, %c0_i32 : i32, i32
  }
  func.func @transform_5(%arg0: i32) -> (i32, i32) {
    %c0_i32 = arith.constant 0 : i32
    %c0_i32_0 = arith.constant 0 : i32
    return %arg0, %c0_i32 : i32, i32
  }
}

module attributes {stable_mosaic.version = 14 : i64} {
  func.func @_mid_body(%arg0: i32, %arg1: memref<2x1024x128xf32, #tpu.memory_space<vmem>>, %arg2: memref<1024x128xf32, #tpu.memory_space<vmem>>, %arg3: memref<1024x128xf32, #tpu.memory_space<vmem>>, %arg4: memref<128xf32, #tpu.memory_space<vmem>>, %arg5: memref<128x128xf32, #tpu.memory_space<vmem>>, %arg6: memref<1024x128xf32, #tpu.memory_space<vmem>>) attributes {dimension_semantics = [#tpu.dimension_semantics<arbitrary>], iteration_bounds = array<i64: 10>, scalar_prefetch = 0 : i64, scratch_operands = 0 : i64, tpu.core_type = #tpu.core_type<tc>, window_params = [{transform_indices = @transform_0, window_bounds = array<i64: 2, 1024, 128>}, {transform_indices = @transform_1, window_bounds = array<i64: 1024, 128>}, {transform_indices = @transform_2, window_bounds = array<i64: 1024, 128>}, {pipeline_mode = #tpu.pipeline_mode<synchronous>, transform_indices = @transform_3, window_bounds = array<i64: 128>}, {pipeline_mode = #tpu.pipeline_mode<synchronous>, transform_indices = @transform_4, window_bounds = array<i64: 128, 128>}, {transform_indices = @transform_5, window_bounds = array<i64: 1024, 128>}]} {
    %get3A = arith.constant 0 : index
    %get3A_0 = arith.constant 0 : index
    %get3A_1 = arith.constant 0 : index
    %get3A_2 = vector.load %arg1[%get3A, %get3A_0, %get3A_1] : memref<2x1024x128xf32, #tpu.memory_space<vmem>>, vector<1x1024x128xf32>
    %get3A_3 = vector.shape_cast %get3A_2 : vector<1x1024x128xf32> to vector<1024x128xf32>
    %get3A_4 = arith.constant 1 : index
    %get3A_5 = arith.constant 0 : index
    %get3A_6 = arith.constant 0 : index
    %get3A_7 = vector.load %arg1[%get3A_4, %get3A_5, %get3A_6] : memref<2x1024x128xf32, #tpu.memory_space<vmem>>, vector<1x1024x128xf32>
    %get3A_8 = vector.shape_cast %get3A_7 : vector<1x1024x128xf32> to vector<1024x128xf32>
    %add3A = arith.addf %get3A_3, %get3A_8 : vector<1024x128xf32>
    %get3A_9 = arith.constant 0 : index
    %get3A_10 = arith.constant 0 : index
    %get3A_11 = vector.load %arg2[%get3A_9, %get3A_10] : memref<1024x128xf32, #tpu.memory_space<vmem>>, vector<1024x128xf32>
    %mul3A = arith.mulf %add3A, %get3A_11 : vector<1024x128xf32>
    %get3A_12 = arith.constant 0 : index
    %get3A_13 = vector.load %arg4[%get3A_12] : memref<128xf32, #tpu.memory_space<vmem>>, vector<128xf32>
    %broadcast_in_dim3A = vector.shape_cast %get3A_13 : vector<128xf32> to vector<1x128xf32>
    %add3A_14 = vector.broadcast %broadcast_in_dim3A : vector<1x128xf32> to vector<1024x128xf32>
    %add3A_15 = arith.addf %mul3A, %add3A_14 : vector<1024x128xf32>
    %max3A = arith.constant 0.000000e+00 : f32
    %max3A_16 = vector.broadcast %max3A : f32 to vector<1024x128xf32>
    %max3A_17 = arith.maximumf %add3A_15, %max3A_16 : vector<1024x128xf32>
    %get3A_18 = arith.constant 0 : index
    %get3A_19 = arith.constant 0 : index
    %get3A_20 = vector.load %arg5[%get3A_18, %get3A_19] : memref<128x128xf32, #tpu.memory_space<vmem>>, vector<128x128xf32>
    %dot_general3A = arith.constant dense<0.000000e+00> : vector<1024x128xf32>
    %dot_general3A_21 = tpu.matmul %max3A_17, %get3A_20, %dot_general3A {dimension_numbers = #tpu.dot_dimension_numbers<[1], [0], [0], [1], [0, 0, 1, 1], [], []>, precision = #tpu.contract_precision<fp32>, transpose_lhs_hint = false} : vector<1024x128xf32>, vector<128x128xf32>, vector<1024x128xf32> -> vector<1024x128xf32>
    %get3A_22 = arith.constant 0 : index
    %get3A_23 = arith.constant 0 : index
    %get3A_24 = vector.load %arg3[%get3A_22, %get3A_23] : memref<1024x128xf32, #tpu.memory_space<vmem>>, vector<1024x128xf32>
    %mul3A_25 = arith.mulf %dot_general3A_21, %get3A_24 : vector<1024x128xf32>
    %swap3A = arith.constant 0 : index
    %swap3A_26 = arith.constant 0 : index
    %swap3A_27 = vector.load %arg6[%swap3A, %swap3A_26] : memref<1024x128xf32, #tpu.memory_space<vmem>>, vector<1024x128xf32>
    tpu.vector_store %arg6[%swap3A, %swap3A_26], %mul3A_25 {strides = array<i32>} : memref<1024x128xf32, #tpu.memory_space<vmem>>, vector<1024x128xf32>,
    return
  }
  func.func @transform_0(%arg0: i32) -> (i32, i32, i32) {
    %c0_i32 = arith.constant 0 : i32
    %c0_i32_0 = arith.constant 0 : i32
    %c0_i32_1 = arith.constant 0 : i32
    return %c0_i32, %arg0, %c0_i32_0 : i32, i32, i32
  }
  func.func @transform_1(%arg0: i32) -> (i32, i32) {
    %c0_i32 = arith.constant 0 : i32
    %c0_i32_0 = arith.constant 0 : i32
    return %arg0, %c0_i32 : i32, i32
  }
  func.func @transform_2(%arg0: i32) -> (i32, i32) {
    %c0_i32 = arith.constant 0 : i32
    %c0_i32_0 = arith.constant 0 : i32
    return %arg0, %c0_i32 : i32, i32
  }
  func.func @transform_3(%arg0: i32) -> i32 {
    %c0_i32 = arith.constant 0 : i32
    %c0_i32_0 = arith.constant 0 : i32
    return %c0_i32 : i32
  }
  func.func @transform_4(%arg0: i32) -> (i32, i32) {
    %c0_i32 = arith.constant 0 : i32
    %c0_i32_0 = arith.constant 0 : i32
    %c0_i32_1 = arith.constant 0 : i32
    return %c0_i32, %c0_i32_0 : i32, i32
  }
  func.func @transform_5(%arg0: i32) -> (i32, i32) {
    %c0_i32 = arith.constant 0 : i32
    %c0_i32_0 = arith.constant 0 : i32
    return %arg0, %c0_i32 : i32, i32
  }
}

module attributes {stable_mosaic.version = 14 : i64} {
  func.func @_final_body(%arg0: i32, %arg1: memref<2x1000x128xf32, #tpu.memory_space<vmem>>, %arg2: memref<1000x128xf32, #tpu.memory_space<vmem>>, %arg3: memref<128xf32, #tpu.memory_space<vmem>>, %arg4: memref<128x64xf32, #tpu.memory_space<vmem>>, %arg5: memref<64xf32, #tpu.memory_space<vmem>>, %arg6: memref<1000x64xf32, #tpu.memory_space<vmem>>) attributes {dimension_semantics = [#tpu.dimension_semantics<arbitrary>], iteration_bounds = array<i64: 10>, scalar_prefetch = 0 : i64, scratch_operands = 0 : i64, tpu.core_type = #tpu.core_type<tc>, window_params = [{transform_indices = @transform_0, window_bounds = array<i64: 2, 1000, 128>}, {transform_indices = @transform_1, window_bounds = array<i64: 1000, 128>}, {pipeline_mode = #tpu.pipeline_mode<synchronous>, transform_indices = @transform_2, window_bounds = array<i64: 128>}, {pipeline_mode = #tpu.pipeline_mode<synchronous>, transform_indices = @transform_3, window_bounds = array<i64: 128, 64>}, {pipeline_mode = #tpu.pipeline_mode<synchronous>, transform_indices = @transform_4, window_bounds = array<i64: 64>}, {transform_indices = @transform_5, window_bounds = array<i64: 1000, 64>}]} {
    %get3A = arith.constant 0 : index
    %get3A_0 = arith.constant 0 : index
    %get3A_1 = arith.constant 0 : index
    %get3A_2 = vector.load %arg1[%get3A, %get3A_0, %get3A_1] : memref<2x1000x128xf32, #tpu.memory_space<vmem>>, vector<1x1000x128xf32>
    %get3A_3 = vector.shape_cast %get3A_2 : vector<1x1000x128xf32> to vector<1000x128xf32>
    %get3A_4 = arith.constant 1 : index
    %get3A_5 = arith.constant 0 : index
    %get3A_6 = arith.constant 0 : index
    %get3A_7 = vector.load %arg1[%get3A_4, %get3A_5, %get3A_6] : memref<2x1000x128xf32, #tpu.memory_space<vmem>>, vector<1x1000x128xf32>
    %get3A_8 = vector.shape_cast %get3A_7 : vector<1x1000x128xf32> to vector<1000x128xf32>
    %add3A = arith.addf %get3A_3, %get3A_8 : vector<1000x128xf32>
    %get3A_9 = arith.constant 0 : index
    %get3A_10 = arith.constant 0 : index
    %get3A_11 = vector.load %arg2[%get3A_9, %get3A_10] : memref<1000x128xf32, #tpu.memory_space<vmem>>, vector<1000x128xf32>
    %mul3A = arith.mulf %add3A, %get3A_11 : vector<1000x128xf32>
    %get3A_12 = arith.constant 0 : index
    %get3A_13 = vector.load %arg3[%get3A_12] : memref<128xf32, #tpu.memory_space<vmem>>, vector<128xf32>
    %broadcast_in_dim3A = vector.shape_cast %get3A_13 : vector<128xf32> to vector<1x128xf32>
    %add3A_14 = vector.broadcast %broadcast_in_dim3A : vector<1x128xf32> to vector<1000x128xf32>
    %add3A_15 = arith.addf %mul3A, %add3A_14 : vector<1000x128xf32>
    %max3A = arith.constant 0.000000e+00 : f32
    %max3A_16 = vector.broadcast %max3A : f32 to vector<1000x128xf32>
    %max3A_17 = arith.maximumf %add3A_15, %max3A_16 : vector<1000x128xf32>
    %get3A_18 = arith.constant 0 : index
    %get3A_19 = arith.constant 0 : index
    %get3A_20 = vector.load %arg4[%get3A_18, %get3A_19] : memref<128x64xf32, #tpu.memory_space<vmem>>, vector<128x64xf32>
    %dot_general3A = arith.constant dense<0.000000e+00> : vector<1000x64xf32>
    %dot_general3A_21 = tpu.matmul %max3A_17, %get3A_20, %dot_general3A {dimension_numbers = #tpu.dot_dimension_numbers<[1], [0], [0], [1], [0, 0, 1, 1], [], []>, precision = #tpu.contract_precision<fp32>, transpose_lhs_hint = false} : vector<1000x128xf32>, vector<128x64xf32>, vector<1000x64xf32> -> vector<1000x64xf32>
    %get3A_22 = arith.constant 0 : index
    %get3A_23 = vector.load %arg5[%get3A_22] : memref<64xf32, #tpu.memory_space<vmem>>, vector<64xf32>
    %broadcast_in_dim3A_24 = vector.shape_cast %get3A_23 : vector<64xf32> to vector<1x64xf32>
    %add3A_25 = vector.broadcast %broadcast_in_dim3A_24 : vector<1x64xf32> to vector<1000x64xf32>
    %add3A_26 = arith.addf %dot_general3A_21, %add3A_25 : vector<1000x64xf32>
    %swap3A = arith.constant 0 : index
    %swap3A_27 = arith.constant 0 : index
    %swap3A_28 = vector.load %arg6[%swap3A, %swap3A_27] : memref<1000x64xf32, #tpu.memory_space<vmem>>, vector<1000x64xf32>
    tpu.vector_store %arg6[%swap3A, %swap3A_27], %add3A_26 {strides = array<i32>} : memref<1000x64xf32, #tpu.memory_space<vmem>>, vector<1000x64xf32>,
    return
  }
  func.func @transform_0(%arg0: i32) -> (i32, i32, i32) {
    %c0_i32 = arith.constant 0 : i32
    %c0_i32_0 = arith.constant 0 : i32
    %c0_i32_1 = arith.constant 0 : i32
    return %c0_i32, %arg0, %c0_i32_0 : i32, i32, i32
  }
  func.func @transform_1(%arg0: i32) -> (i32, i32) {
    %c0_i32 = arith.constant 0 : i32
    %c0_i32_0 = arith.constant 0 : i32
    return %arg0, %c0_i32 : i32, i32
  }
  func.func @transform_2(%arg0: i32) -> i32 {
    %c0_i32 = arith.constant 0 : i32
    %c0_i32_0 = arith.constant 0 : i32
    return %c0_i32 : i32
  }
  func.func @transform_3(%arg0: i32) -> (i32, i32) {
    %c0_i32 = arith.constant 0 : i32
    %c0_i32_0 = arith.constant 0 : i32
    %c0_i32_1 = arith.constant 0 : i32
    return %c0_i32, %c0_i32_0 : i32, i32
  }
  func.func @transform_4(%arg0: i32) -> i32 {
    %c0_i32 = arith.constant 0 : i32
    %c0_i32_0 = arith.constant 0 : i32
    return %c0_i32 : i32
  }
  func.func @transform_5(%arg0: i32) -> (i32, i32) {
    %c0_i32 = arith.constant 0 : i32
    %c0_i32_0 = arith.constant 0 : i32
    return %arg0, %c0_i32 : i32, i32
  }
}

</mosaic_0001>

<sc_bundles>
// kernel: kernel.11.cloned.1.call-start
scs
__scs_entry_jumppad:
0x0: {  	(pc) =	sbr.rel $0x88, $3  }
0x1: {  	(tag) =	ssettag $0x0;
	lr =	simm.s32 $0x1  }
0x2: {  	[smem:$0x3F99] =	sst lr;
	_ =	strace $0xD0000000  }
0x3: {  	_ = 	snop  }
0x4: {  	_ = 	snop  }
0x5: {  	_ = 	snop  }
0x6: {  	_ = 	snop  }
0x7: {  	_ = 	snop  }
__scs_overlays_trampoline_lowered:
0x8: {  	[smem:$0x3FA8] =	sst s0  }
0x9: {  	[smem:$0x3FA9] =	sst s1  }
0xa: {  	[smem:$0x3FAA] =	sst s2  }
0xb: {  	[smem:$0x3FAB] =	sst s3  }
0xc: {  	[smem:$0x3FAC] =	sst s4  }
0xd: {  	[smem:$0x3FAD] =	sst s5  }
0xe: {  	[smem:$0x3FAE] =	sst s6  }
0xf: {  	[smem:$0x3FAF] =	sst s7  }
0x10: {  	[smem:$0x3FB0] =	sst s8  }
0x11: {  	[smem:$0x3FB1] =	sst s9;
	s0 =	simm.s32 @!p0 $0x0  }
0x12: {  	s1 =	sld [smem:$0x3F97];
	s0 =	simm.s32 @p0 $0x1  }
0x13: {  	[smem:$0x3FB2] =	sst s0;
	s0 =	simm.s32 @!p1 $0x0  }
0x14: {  	s2 =	sld [smem:$0x3F96];
	s0 =	simm.s32 @p1 $0x1  }
0x15: {  	[smem:$0x3FB3] =	sst s0;
	s0 =	simm.s32 @!p2 $0x0  }
0x16: {  	s3 =	sld [smem:$0x3FDB];
	s0 =	simm.s32 @p2 $0x1  }
0x17: {  	s4 =	simm.s32 $0x1BF5;
	[smem:$0x3FB5] =	sst s0  }
0x18: {  	s0 =	sld [smem:$0x3F98];
	_ =	swait.ge [sflag:s4], $0x0  }
0x19: {  	s7 =	sld [smem:$0x3F99]  }
0x1a: {  	s8 =	sadd.s32 $0xFFFFE003, lr  }
0x1b: {  	s9 =	sadd.s32 $0xFFFFFEF7, lr;
	s5 =	simm.s32 $0xFFFFFFFF;
	p2 =	slt.u32 s8, $0xFFFFF086  }
0x1c: {  	p1 =	slt.u32 s9, $0xF7A;
	s5 =	simm.s32 @!p2 $0x0  }
0x1d: {  	s5 =	simm.s32 @p1 $0x1;
	p0 =	seq.s32 s7, s2  }
0x1e: {  	s7 =	smul.u32 @!p0 $0xF7A, s2;
	p2 =	seq.s32 @!p0 s5, $0x0  }
0x1f: {  	s9 =	smul.u32 $0xF7A, s1;
	s8 =	simm.s32 @!p0 $0x1BF5;
	p2 =	por !p2, p0  }
0x20: {  	[sflag:s8] =	ssyncset.s32 @!p0 $0xFFFFF086;
	s6 =	sadd.s32 @!p0 s3, s7;
	s7 =	simm.s32 @!p0 $0x108  }
0x21: {  	s3 =	sadd.s32 s3, s9;
	s6 =	sadd.s32 @!p0 $0x88, s6;
	s7 =	simm.s32 @p2 $0x1082  }
0x22: {  	[simem:s7], [sflag:s8] =	dma.local @!p0 [hbm:s6], $0xF7A  }
0x23: {  	s9 =	sor.u32 $0xD0000000, s2;
	s6 =	simm.s32 $0x108;
	_ =	swait.ge @!p0 [sflag:s8], $0x0  }
0x24: {  	s3 =	sadd.s32 $0x88, s3;
	s6 =	simm.s32 @!p1 $0x1082;
	[sflag:s4] =	ssyncset.s32 $0xFFFFF086  }
0x25: {  	[simem:s6], [sflag:s4] =	dma.local [hbm:s3], $0xF7A  }
0x26: {  	[smem:$0x3F99] =	sst s1;
	(tag) =	ssettag s2;
	_ =	strace s9  }
0x27: {  	s1 =	sld [smem:$0x3FA9]  }
0x28: {  	s2 =	sld [smem:$0x3FAA]  }
0x29: {  	s4 =	sld [smem:$0x3FAC]  }
0x2a: {  	p0 =	seq.s32 s5, $0x0;
	s5 =	sld [smem:$0x3FAD]  }
0x2b: {  	s6 =	sld [smem:$0x3FAE]  }
0x2c: {  	s7 =	sld [smem:$0x3FAF]  }
0x2d: {  	s3 =	simm.s32 $0x108;
	s8 =	sld [smem:$0x3FB0]  }
0x2e: {  	s3 =	simm.s32 @!p0 $0x1082;
	s9 =	sld [smem:$0x3FB1]  }
0x2f: {  	lr =	sadd.s32 s0, s3;
	s0 =	sld [smem:$0x3FA8]  }
0x30: {  	s3 =	sld [smem:$0x3FAB]  }
0x31: {  	[smem:$0x3FB4] =	sst s10  }
0x32: {  	s10 =	sld [smem:$0x3FB2];
	_ =	sdelay $0x3  }
0x33: {  	p0 =	seq.s32 s10, $0x1;
	s10 =	sld [smem:$0x3FB4];
	_ =	sdelay $0x3  }
0x34: {  	[smem:$0x3FB4] =	sst s10  }
0x35: {  	s10 =	sld [smem:$0x3FB3];
	_ =	sdelay $0x3  }
0x36: {  	p1 =	seq.s32 s10, $0x1;
	s10 =	sld [smem:$0x3FB4];
	_ =	sdelay $0x3  }
0x37: {  	[smem:$0x3FB4] =	sst s10  }
0x38: {  	s10 =	sld [smem:$0x3FB5]  }
0x39: {  	_ = 	snop;
	(pc) =	sbr.ind lr, $3  }
0x3a: {  	_ = 	snop  }
0x3b: {  	_ = 	snop  }
0x3c: {  	p2 =	seq.s32 s10, $0x1;
	s10 =	sld [smem:$0x3FB4]  }
0x3d: {  	_ =	shalt  }
0x3e: {  	_ =	shalt  }
0x3f: {  	_ =	shalt  }
0x40: {  	_ =	shalt  }
0x41: {  	_ =	shalt  }
0x42: {  	_ =	shalt  }
0x43: {  	_ =	shalt  }
0x44: {  	_ =	shalt  }
0x45: {  	_ =	shalt  }
0x46: {  	_ =	shalt  }
0x47: {  	_ =	shalt  }
0x48: {  	_ =	shalt  }
0x49: {  	_ =	shalt  }
0x4a: {  	_ =	shalt  }
0x4b: {  	_ =	shalt  }
0x4c: {  	_ =	shalt  }
0x4d: {  	_ =	shalt  }
0x4e: {  	_ =	shalt  }
0x4f: {  	_ =	shalt  }
0x50: {  	_ =	shalt  }
0x51: {  	_ =	shalt  }
0x52: {  	_ =	shalt  }
0x53: {  	_ =	shalt  }
0x54: {  	_ =	shalt  }
0x55: {  	_ =	shalt  }
0x56: {  	_ =	shalt  }
0x57: {  	_ =	shalt  }
0x58: {  	_ =	shalt  }
0x59: {  	_ =	shalt  }
0x5a: {  	_ =	shalt  }
0x5b: {  	_ =	shalt  }
0x5c: {  	_ =	shalt  }
0x5d: {  	_ =	shalt  }
0x5e: {  	_ =	shalt  }
0x5f: {  	_ =	shalt  }
0x60: {  	_ =	shalt  }
0x61: {  	_ =	shalt  }
0x62: {  	_ =	shalt  }
0x63: {  	_ =	shalt  }
0x64: {  	_ =	shalt  }
0x65: {  	_ =	shalt  }
0x66: {  	_ =	shalt  }
0x67: {  	_ =	shalt  }
0x68: {  	_ =	shalt  }
0x69: {  	_ =	shalt  }
0x6a: {  	_ =	shalt  }
0x6b: {  	_ =	shalt  }
0x6c: {  	_ =	shalt  }
0x6d: {  	_ =	shalt  }
0x6e: {  	_ =	shalt  }
0x6f: {  	_ =	shalt  }
0x70: {  	_ =	shalt  }
0x71: {  	_ =	shalt  }
0x72: {  	_ =	shalt  }
0x73: {  	_ =	shalt  }
0x74: {  	_ =	shalt  }
0x75: {  	_ =	shalt  }
0x76: {  	_ =	shalt  }
0x77: {  	_ =	shalt  }
0x78: {  	_ =	shalt  }
0x79: {  	_ =	shalt  }
0x7a: {  	_ =	shalt  }
0x7b: {  	_ =	shalt  }
0x7c: {  	_ =	shalt  }
0x7d: {  	_ =	shalt  }
0x7e: {  	_ =	shalt  }
0x7f: {  	_ =	shalt  }
0x80: {  	_ =	shalt  }
0x81: {  	_ =	shalt  }
0x82: {  	_ =	shalt  }
0x83: {  	_ =	shalt  }
0x84: {  	_ =	shalt  }
0x85: {  	_ =	shalt  }
0x86: {  	_ =	shalt  }
0x87: {  	_ =	shalt  }
.Lfunc_end0:
.L_simem_size_0:
called_computation.1_lowered:
.L_overlay_start_0:
0x88: {  	s2 =	sld [smem:$0x3FD9]  }
0x89: {  	s3 =	sld [smem:$0x3FFE];
	_ =	sdelay $0x1  }
0x8a: {  	s1 =	srdreg.scid  }
0x8b: {  	s0 =	sand.u32 $0x1, s1  }
0x8c: {  	s16 =	sshll.u32 s0, $0xA;
	s2 =	sadd.s32 s3, s2  }
0x8d: {  	s2 =	sadd.s32 s2, s16  }
0x8e: {  	[smem:$0x3FC0] =	sst s2  }
0x8f: {  	_ = 	snop  }
0x90: {  	(tm) =	ssettm $0x1  }
0x91: {  	s17 =	sld [smem:$0x3FFB];
	_ =	sdelay $0x3  }
0x92: {  	_ =	strace s17  }
0x93: {  	s2 =	sld [smem:$0x3FFC];
	_ =	sdelay $0x3  }
0x94: {  	_ =	strace s2  }
0x95: {  	s2 =	sld [smem:$0x3FFD];
	_ =	sdelay $0x3  }
0x96: {  	_ =	strace s2  }
0x97: {  	_ =	strace $0x8FFFFFFF  }
0x98: {  	s18 =	sld [smem:$0x3FDB];
	_ =	sdelay $0x1  }
0x99: {  	s19 =	simm.s32 $_scs_section_size  }
0x9a: {  	s4 =	simm.s32 $_size__tile_overlayer_lowered;
	s5 =	simm.s32 $_tile_overlayer_lowered  }
0x9b: {  	s22 =	simm.s32 $0x1BFF;
	s21 =	sshll.u32 s5, $0x1;
	s2 =	sadd.s32 s19, s18  }
0x9c: {  	s6 =	simm.s32 $0x0;
	s20 =	sshll.u32 s4, $0x1;
	s4 =	sadd.s32 s21, s2  }
0x9d: {  	[timem:s6], [sflag:s22] =	dma.local [hbm:s4], s20  }
0x9e: {  	_ =	swait.ge [sflag:s22], s20  }
0x9f: {  	s3 =	ssub.s32 $0x0, s20;
	[sflag:s22] =	ssyncset.done $0x0  }
0xa0: {  	[sflag:s22] =	ssyncadd.s32 s3;
	_ =	sdelay $0x1  }
0xa1: {  	s23 =	simm.s32 $0x1B8B  }
0xa2: {  	_ =	swait.ge [sflag:s23], $0x1  }
0xa3: {  	[sflag:s23] =	ssyncset.done $0x0  }
0xa4: {  	s25 =	simm.s32 $0x1B8E;
	s24 =	sld [smem:$0x3FFE];
	[sflag:s23] =	ssyncadd.s32 $0xFFFFFFFF  }
0xa5: {  	s26 =	simm.s32 $execute0_lowered;
	[smem:$0x3FD2] =	sst s25  }
0xa6: {  	s4 =	sshll.u32 s26, $0x1;
	_ =	strace $0x80000049;
	[dreg:$0x1] =	wrdreg $0xFFFFFFFF  }
0xa7: {  	s28 =	simm.s32 $_size_execute0_lowered;
	s2 =	sadd.s32 s2, s4;
	[dreg:$0x0] =	wrdreg $0x0  }
0xa8: {  	s4 =	sshll.u32 s28, $0x1;
	[dreg:$0x2] =	wrdreg s2  }
0xa9: {  	[dreg:$0x3] =	wrdreg s4  }
0xaa: {  	[dreg:$0x4] =	wrdreg $0xC0  }
0xab: {  	_ =	task [dreg:s6], $0x5FFFF  }
0xac: {  	[dreg:$0x1] =	wrdreg $0xFFFFFFFF  }
0xad: {  	[dreg:$0x0] =	wrdreg $0x60  }
0xae: {  	[dreg:$0x2] =	wrdreg s24  }
0xaf: {  	[dreg:$0x3] =	wrdreg $0x0  }
0xb0: {  	[dreg:$0x4] =	wrdreg $0x9  }
0xb1: {  	_ =	task.clear_ibuf [dreg:s6], $0x5FFFF;
	_ =	strace $0x90000049  }
0xb2: {  	s29 =	simm.s32 $0x9;
	_ =	strace $0x8000004B  }
0xb3: {  	_ =	swait.ge [sflag:s29], $0x1  }
0xb4: {  	[sflag:s29] =	ssyncadd.s32 $0xFFFFFFFF  }
0xb5: {  	_ =	strace $0x9000004B  }
0xb6: {  	_ =	sfence  }
0xb7: {  	s30 =	sld [smem:$0x0];
	_ =	sdelay $0x2  }
0xb8: {  	s31 =	sshll.u32 s1, $0xD;
	s1 =	sshrl.u32 s1, $0x2  }
0xb9: {  	s3 =	sand.u32 $0x4000, s31;
	s1 =	sadd.s32 s1, s30  }
0xba: {  	s0 =	sor.u32 s3, s0;
	s1 =	sshll.u32 s1, $0x11  }
0xbb: {  	s0 =	sor.u32 s1, s0  }
0xbc: {  	s0 =	sadd.s32 $0x8F2B, s0  }
0xbd: {  	[sflag:s0] =	ssyncadd.remote.s32 $0x1  }
0xbe: {  	_ =	sfence.sel $0xFFFF  }
0xbf: {  	[dreg:$0x0] =	wrdreg $0xFFFFFFFF;
	(pc) =	sbr.abs _section_cstart, $3  }
0xc0: {  	[dreg:$0x1] =	wrdreg $0xFFFFFFFF  }
0xc1: {  	_ =	task.clear_ibuf [dreg:s6], $0x2FFFF;
	_ =	strace $0x9FFFFFFF  }
0xc2: {  	(tm) =	ssettm $0x7FFFFFFF  }
0xc3: {  	_ =	shalt  }
tec
execute0_lowered:
.L_overlay_start_1:
0x0: {  	(tag) =	ssettag $0x1  }
0x1: {  	s0 =	rddreg [dreg:$0x0]  }
0x2: {  	s1 =	rddreg [dreg:$0x1];
	s2 =	srdreg.scid  }
0x3: {  	s3 =	simm.s32 $0x0;
	s11 =	stileid.u32;
	s28 =	simm.s32 $0x15400  }
0x4: {  	s29 =	simm.s32 $0x80;
	s30 =	simm.s32 $0x14080;
	s31 =	simm.s32 $0x1A800  }
0x5: {  	s2 =	sand.u32 $0x1, s2;
	[smem:$0x7FF] =	sst s3;
	s6 =	smul.u32 $0x50000, s11  }
0x6: {  	s7 =	sadd.s32 $0x2800, s0;
	s8 =	sadd.s32 $0xC800, s0;
	s4 =	sshll.u32 s2, $0x4  }
0x7: {  	_ =	strace $0x8000004A;
	s9 =	ssub.s32 $0x2, s2;
	s2 =	smul.u32 $0x140000, s2  }
0x8: {  	s5 =	sor.u32 s11, s4;
	s4 =	sadd.s32 $0x16800, s0;
	s11 =	smul.u32 $0x14000, s11  }
0x9: {  	s0 =	sadd.s32 $0x3E800, s0;
	s10 =	sshrl.u32 s9, $0x1;
	s6 =	sshrl.u32 s6, $0x2  }
0xa: {  	s5 =	smul.u32 $0x2800, s5;
	s9 =	ssub.s32 s9, s10;
	s14 =	sadd.s32 s2, s11  }
0xb: {  	s16 =	smax.u32 s9, $0x1;
	s18 =	sadd.s32 $0x4000, s11;
	s20 =	sadd.s32 $0x8000, s11  }
0xc: {  	s22 =	sadd.s32 $0xC000, s11;
	s23 =	sadd.s32 $0x10000, s11;
	s9 =	simm.s32 $0x16780  }
0xd: {  	s26 =	sshrl.u32 s5, $0x3;
	s5 =	sadd.s32 s6, s1;
	s6 =	sshrl.u32 s14, $0x3  }
0xe: {  	[dreg:$0x8] =	wrdreg s16;
	s19 =	sadd.s32 s2, s18;
	s21 =	sadd.s32 s2, s20  }
0xf: {  	s24 =	sadd.s32 s2, s22;
	s2 =	sadd.s32 s2, s23;
	s25 =	sadd.s32 s22, s1  }
0x10: {  	s13 =	sadd.s32 s7, s26;
	s12 =	sadd.s32 s8, s26;
	s10 =	sadd.s32 $0x280, s26  }
0x11: {  	s6 =	sadd.s32 s0, s6;
	s17 =	sadd.s32 $0x4000, s5;
	[dreg:$0x3] =	wrdreg s13  }
0x12: {  	s14 =	sadd.s32 $0xC000, s5;
	s2 =	sshrl.u32 s2, $0x3;
	[dreg:$0x4] =	wrdreg s12  }
0x13: {  	s26 =	sadd.s32 s23, s1;
	s7 =	sadd.s32 s7, s10;
	[dreg:$0x7] =	wrdreg s6  }
0x14: {  	s15 =	sadd.s32 s8, s10;
	[dreg:$0x9] =	wrdreg s17;
	s13 =	sadd.s32 $0x8000, s5  }
0x15: {  	s6 =	sadd.s32 s18, s1;
	s8 =	sadd.s32 s20, s1;
	[dreg:$0x5] =	wrdreg s7  }
0x16: {  	s20 =	simm.s32 $0x16800;
	[dreg:$0x6] =	wrdreg s15;
	s15 =	sadd.s32 $0x10000, s5  }
0x17: {  	s7 =	sshrl.u32 s19, $0x3;
	s19 =	sadd.s32 s0, s2;
	s22 =	sshrl.u32 s6, $0x3  }
0x18: {  	s23 =	sshrl.u32 s8, $0x3;
	s2 =	simm.s32 $0x2;
	s6 =	simm.s32 $0x3  }
0x19: {  	s8 =	simm.s32 $0x16700;
	s16 =	sadd.s32 s0, s7;
	s7 =	sshrl.u32 s21, $0x3  }
0x1a: {  	s21 =	simm.s32 $0x5;
	s17 =	sadd.s32 s0, s7;
	s7 =	sshrl.u32 s24, $0x3  }
0x1b: {  	s24 =	sshrl.u32 s25, $0x3;
	s25 =	sshrl.u32 s26, $0x3;
	s26 =	simm.s32 $0x14000  }
0x1c: {  	v0 =	vimm.f32 $0.0e+00;
	s18 =	sadd.s32 s0, s7;
	s0 =	simm.s32 $0x1;
	s7 =	simm.s32 $0x4  }
.LBB2_1:
0x1d: {  	s10 =	simm.s32 $0x0;
	s11 =	simm.s32 $0x200  }
.LBB2_2:
0x1e: {  	p0 =	sne.s32 s11, $0xFE00;
	[tilespmem:s10+$0x16870] =	vst v0  }
0x1f: {  	[tilespmem:s10+$0x16800] =	vst v0  }
0x20: {  	[tilespmem:s10+$0x16810] =	vst v0  }
.Ltmp0:
0x21: {  	[tilespmem:s10+$0x16820] =	vst v0;
	(pc) =	sbr.rel @p0 .LBB2_2-.Ltmp0, $4  }
0x22: {  	[tilespmem:s10+$0x16830] =	vst v0  }
0x23: {  	[tilespmem:s10+$0x16840] =	vst v0  }
0x24: {  	[tilespmem:s10+$0x16850] =	vst v0  }
0x25: {  	[tilespmem:s10+$0x16860] =	vst v0;
	s10 =	sshra.s32 s11, $0x2;
	s11 =	sadd.s32 $0x200, s11  }
0x26: {  	[tilespmem:s10+$0x16870] =	vst v0  }
0x27: {  	[tilespmem:s10+$0x16800] =	vst v0  }
0x28: {  	[tilespmem:s10+$0x16810] =	vst v0  }
0x29: {  	[tilespmem:s10+$0x16820] =	vst v0  }
0x2a: {  	[tilespmem:s10+$0x16830] =	vst v0  }
0x2b: {  	[tilespmem:s10+$0x16840] =	vst v0  }
0x2c: {  	[tilespmem:s10+$0x16850] =	vst v0  }
0x2d: {  	[tilespmem:s10+$0x16860] =	vst v0  }
0x2e: {  	[spmem:s5] =	stream.linear.scatter [tilespmem:s20], [sflag:$0x5], $0x4000, $0x38;
	[tilespmem:$0x1E800] =	vst v63  }
0x2f: {  	_ =	swait.ge [sflag:s21], $0x4000  }
0x30: {  	[sflag:s21] =	ssyncset.done $0x0  }
0x31: {  	s11 =	rddreg [dreg:$0x9];
	[sflag:s21] =	ssyncadd.s32 $0xFFFFC000  }
0x32: {  	[spmem:s11] =	stream.linear.scatter [tilespmem:s20], [sflag:$0x5], $0x4000, $0x38;
	[tilespmem:$0x1E800] =	vst v63  }
0x33: {  	_ =	swait.ge [sflag:s21], $0x4000  }
0x34: {  	[sflag:s21] =	ssyncset.done $0x0  }
0x35: {  	[sflag:s21] =	ssyncadd.s32 $0xFFFFC000  }
0x36: {  	[spmem:s13] =	stream.linear.scatter [tilespmem:s20], [sflag:$0x5], $0x4000, $0x38;
	[tilespmem:$0x1E800] =	vst v63  }
0x37: {  	_ =	swait.ge [sflag:s21], $0x4000  }
0x38: {  	[sflag:s21] =	ssyncset.done $0x0  }
0x39: {  	[sflag:s21] =	ssyncadd.s32 $0xFFFFC000  }
0x3a: {  	[spmem:s14] =	stream.linear.scatter [tilespmem:s20], [sflag:$0x5], $0x4000, $0x38;
	[tilespmem:$0x1E800] =	vst v63  }
0x3b: {  	_ =	swait.ge [sflag:s21], $0x4000  }
0x3c: {  	[sflag:s21] =	ssyncset.done $0x0  }
0x3d: {  	[sflag:s21] =	ssyncadd.s32 $0xFFFFC000  }
0x3e: {  	[spmem:s15] =	stream.linear.scatter [tilespmem:s20], [sflag:$0x5], $0x4000, $0x38;
	[tilespmem:$0x1E800] =	vst v63  }
0x3f: {  	_ =	swait.ge [sflag:s21], $0x4000  }
0x40: {  	[sflag:s21] =	ssyncset.done $0x0  }
0x41: {  	[sflag:s21] =	ssyncadd.s32 $0xFFFFC000  }
0x42: {  	[bflag:$0x0] =	sbarrier.arrive $0xFFFF  }
0x43: {  	s10 =	simm.s32 $0x0;
	s11 =	rddreg [dreg:$0x3]  }
0x44: {  	[tilespmem:s26], [sflag:$0x5] =	stream.linear.gather [hbm4b:s11+s10], $0x1400, $0x38;
	[tilespmem:$0x1E800] =	vst v63  }
0x45: {  	_ =	swait.ge [sflag:s21], $0x1400  }
0x46: {  	[sflag:s21] =	ssyncset.done $0x0  }
0x47: {  	s12 =	rddreg [dreg:$0x4];
	[sflag:s21] =	ssyncadd.s32 $0xFFFFEC00  }
0x48: {  	[tilespmem:s28], [sflag:$0x5] =	stream.linear.gather [hbm4b:s12+s10], $0x1400, $0x38;
	[tilespmem:$0x1E800] =	vst v63  }
0x49: {  	_ =	swait.ge [sflag:s21], $0x1400  }
0x4a: {  	[sflag:s21] =	ssyncset.done $0x0  }
0x4b: {  	[sflag:s21] =	ssyncadd.s32 $0xFFFFEC00  }
0x4c: {  	[tilespmem:s20], [sflag:$0x1] =	stream.indirect.gather [hbm4b:s4+s29], $0x80, s26, s29, $0xb8;
	[tilespmem:$0x1E800] =	vst v63  }
0x4d: {  	_ = 	snop  }
0x4e: {  	[tilespmem:s31], [sflag:$0x2] =	stream.indirect.gather [hbm4b:s4+s29], $0x80, s30, s29, $0xb8;
	[tilespmem:$0x1E800] =	vst v63  }
0x4f: {  	_ =	swait.ge [sflag:s0], $0x4000  }
0x50: {  	[sflag:s0] =	ssyncset.done $0x0  }
0x51: {  	s12 =	simm.s32 $0x15400;
	[sflag:s0] =	ssyncadd.s32 $0xFFFFC000  }
0x52: {  	[spmem:s1] =	stream.indirect.scatter.add.f32 [tilespmem:s20], [sflag:$0x3], $0x80, s12, s29, $0xb8;
	[tilespmem:$0x1E800] =	vst v63  }
0x53: {  	_ =	swait.ge [sflag:s2], $0x4000  }
0x54: {  	[sflag:s2] =	ssyncset.done $0x0  }
0x55: {  	s11 =	simm.s32 $0x15480;
	[sflag:s2] =	ssyncadd.s32 $0xFFFFC000  }
0x56: {  	[spmem:s1] =	stream.indirect.scatter.add.f32 [tilespmem:s31], [sflag:$0x4], $0x80, s11, s29, $0xb8;
	[tilespmem:$0x1E800] =	vst v63  }
0x57: {  	_ =	swait.ge [sflag:s6], $0x4000  }
0x58: {  	[sflag:s6] =	ssyncset.done $0x0  }
0x59: {  	s12 =	simm.s32 $0x14100;
	[sflag:s6] =	ssyncadd.s32 $0xFFFFC000  }
0x5a: {  	[tilespmem:s20], [sflag:$0x1] =	stream.indirect.gather [hbm4b:s4+s29], $0x80, s12, s29, $0xb8;
	[tilespmem:$0x1E800] =	vst v63  }
0x5b: {  	_ =	swait.ge [sflag:s7], $0x4000  }
0x5c: {  	[sflag:s7] =	ssyncset.done $0x0  }
0x5d: {  	s10 =	simm.s32 $0x400;
	s11 =	simm.s32 $0x14180;
	[sflag:s7] =	ssyncadd.s32 $0xFFFFC000  }
.LBB2_4:
0x5e: {  	[tilespmem:s31], [sflag:$0x2] =	stream.indirect.gather [hbm4b:s4+s29], $0x80, s11, s29, $0xb8;
	[tilespmem:$0x1E800] =	vst v63  }
0x5f: {  	s11 =	smov.u32 s10  }
0x60: {  	p0 =	sne.s32 s10, $0x4800;
	s10 =	sadd.s32 $0x400, s10;
	_ =	swait.ge [sflag:s0], $0x4000  }
0x61: {  	s11 =	sshra.s32 s11, $0x2;
	[sflag:s0] =	ssyncset.done $0x0  }
0x62: {  	s12 =	sadd.s32 $0x15400, s11;
	[sflag:s0] =	ssyncadd.s32 $0xFFFFC000  }
0x63: {  	[spmem:s1] =	stream.indirect.scatter.add.f32 [tilespmem:s20], [sflag:$0x3], $0x80, s12, s29, $0xb8;
	[tilespmem:$0x1E800] =	vst v63  }
0x64: {  	_ =	swait.ge [sflag:s2], $0x4000  }
0x65: {  	[sflag:s2] =	ssyncset.done $0x0  }
0x66: {  	s12 =	sadd.s32 $0x15480, s11;
	[sflag:s2] =	ssyncadd.s32 $0xFFFFC000  }
0x67: {  	[spmem:s1] =	stream.indirect.scatter.add.f32 [tilespmem:s31], [sflag:$0x4], $0x80, s12, s29, $0xb8;
	[tilespmem:$0x1E800] =	vst v63  }
0x68: {  	_ =	swait.ge [sflag:s6], $0x4000  }
0x69: {  	[sflag:s6] =	ssyncset.done $0x0  }
.Ltmp1:
0x6a: {  	s12 =	sadd.s32 $0x14100, s11;
	[sflag:s6] =	ssyncadd.s32 $0xFFFFC000;
	(pc) =	sbr.rel @p0 .LBB2_4-.Ltmp1, $4  }
0x6b: {  	[tilespmem:s20], [sflag:$0x1] =	stream.indirect.gather [hbm4b:s4+s29], $0x80, s12, s29, $0xb8;
	[tilespmem:$0x1E800] =	vst v63  }
0x6c: {  	_ =	swait.ge [sflag:s7], $0x4000  }
0x6d: {  	[sflag:s7] =	ssyncset.done $0x0  }
0x6e: {  	s11 =	sadd.s32 $0x14180, s11;
	[sflag:s7] =	ssyncadd.s32 $0xFFFFC000  }
0x6f: {  	[tilespmem:s31], [sflag:$0x2] =	stream.indirect.gather [hbm4b:s4+s29], $0x80, s11, s29, $0xb8;
	[tilespmem:$0x1E800] =	vst v63  }
0x70: {  	_ =	swait.ge [sflag:s0], $0x4000  }
0x71: {  	[sflag:s0] =	ssyncset.done $0x0  }
0x72: {  	[sflag:s0] =	ssyncadd.s32 $0xFFFFC000  }
0x73: {  	[spmem:s1] =	stream.indirect.scatter.add.f32 [tilespmem:s20], [sflag:$0x3], $0x80, s8, s29, $0xb8;
	[tilespmem:$0x1E800] =	vst v63  }
0x74: {  	_ =	swait.ge [sflag:s2], $0x4000  }
0x75: {  	[sflag:s2] =	ssyncset.done $0x0  }
0x76: {  	[sflag:s2] =	ssyncadd.s32 $0xFFFFC000  }
0x77: {  	[spmem:s1] =	stream.indirect.scatter.add.f32 [tilespmem:s31], [sflag:$0x4], $0x80, s9, s29, $0xb8;
	[tilespmem:$0x1E800] =	vst v63  }
0x78: {  	_ =	swait.ge [sflag:s6], $0x4000  }
0x79: {  	[sflag:s6] =	ssyncset.done $0x0  }
0x7a: {  	[sflag:s6] =	ssyncadd.s32 $0xFFFFC000  }
0x7b: {  	_ =	swait.ge [sflag:s7], $0x4000  }
0x7c: {  	[sflag:s7] =	ssyncset.done $0x0  }
0x7d: {  	s10 =	simm.s32 $0x0;
	s12 =	rddreg [dreg:$0x5];
	[sflag:s7] =	ssyncadd.s32 $0xFFFFC000  }
0x7e: {  	[tilespmem:s26], [sflag:$0x5] =	stream.linear.gather [hbm4b:s12+s10], $0x1400, $0x38;
	[tilespmem:$0x1E800] =	vst v63  }
0x7f: {  	_ =	swait.ge [sflag:s21], $0x1400  }
0x80: {  	[sflag:s21] =	ssyncset.done $0x0  }
0x81: {  	s12 =	rddreg [dreg:$0x6];
	[sflag:s21] =	ssyncadd.s32 $0xFFFFEC00  }
0x82: {  	[tilespmem:s28], [sflag:$0x5] =	stream.linear.gather [hbm4b:s12+s10], $0x1400, $0x38;
	[tilespmem:$0x1E800] =	vst v63  }
0x83: {  	_ =	swait.ge [sflag:s21], $0x1400  }
0x84: {  	[sflag:s21] =	ssyncset.done $0x0  }
0x85: {  	[sflag:s21] =	ssyncadd.s32 $0xFFFFEC00  }
0x86: {  	[tilespmem:s20], [sflag:$0x1] =	stream.indirect.gather [hbm4b:s4+s29], $0x80, s26, s29, $0xb8;
	[tilespmem:$0x1E800] =	vst v63  }
0x87: {  	_ = 	snop  }
0x88: {  	[tilespmem:s31], [sflag:$0x2] =	stream.indirect.gather [hbm4b:s4+s29], $0x80, s30, s29, $0xb8;
	[tilespmem:$0x1E800] =	vst v63  }
0x89: {  	_ =	swait.ge [sflag:s0], $0x4000  }
0x8a: {  	[sflag:s0] =	ssyncset.done $0x0  }
0x8b: {  	s12 =	simm.s32 $0x15400;
	[sflag:s0] =	ssyncadd.s32 $0xFFFFC000  }
0x8c: {  	[spmem:s1] =	stream.indirect.scatter.add.f32 [tilespmem:s20], [sflag:$0x3], $0x80, s12, s29, $0xb8;
	[tilespmem:$0x1E800] =	vst v63  }
0x8d: {  	_ =	swait.ge [sflag:s2], $0x4000  }
0x8e: {  	[sflag:s2] =	ssyncset.done $0x0  }
0x8f: {  	s11 =	simm.s32 $0x15480;
	[sflag:s2] =	ssyncadd.s32 $0xFFFFC000  }
0x90: {  	[spmem:s1] =	stream.indirect.scatter.add.f32 [tilespmem:s31], [sflag:$0x4], $0x80, s11, s29, $0xb8;
	[tilespmem:$0x1E800] =	vst v63  }
0x91: {  	_ =	swait.ge [sflag:s6], $0x4000  }
0x92: {  	[sflag:s6] =	ssyncset.done $0x0  }
0x93: {  	s12 =	simm.s32 $0x14100;
	[sflag:s6] =	ssyncadd.s32 $0xFFFFC000  }
0x94: {  	[tilespmem:s20], [sflag:$0x1] =	stream.indirect.gather [hbm4b:s4+s29], $0x80, s12, s29, $0xb8;
	[tilespmem:$0x1E800] =	vst v63  }
0x95: {  	_ =	swait.ge [sflag:s7], $0x4000  }
0x96: {  	[sflag:s7] =	ssyncset.done $0x0  }
0x97: {  	s10 =	simm.s32 $0x400;
	s11 =	simm.s32 $0x14180;
	[sflag:s7] =	ssyncadd.s32 $0xFFFFC000  }
.LBB2_6:
0x98: {  	[tilespmem:s31], [sflag:$0x2] =	stream.indirect.gather [hbm4b:s4+s29], $0x80, s11, s29, $0xb8;
	[tilespmem:$0x1E800] =	vst v63  }
0x99: {  	s11 =	smov.u32 s10  }
0x9a: {  	p0 =	sne.s32 s10, $0x4800;
	s10 =	sadd.s32 $0x400, s10;
	_ =	swait.ge [sflag:s0], $0x4000  }
0x9b: {  	s11 =	sshra.s32 s11, $0x2;
	[sflag:s0] =	ssyncset.done $0x0  }
0x9c: {  	s12 =	sadd.s32 $0x15400, s11;
	[sflag:s0] =	ssyncadd.s32 $0xFFFFC000  }
0x9d: {  	[spmem:s1] =	stream.indirect.scatter.add.f32 [tilespmem:s20], [sflag:$0x3], $0x80, s12, s29, $0xb8;
	[tilespmem:$0x1E800] =	vst v63  }
0x9e: {  	_ =	swait.ge [sflag:s2], $0x4000  }
0x9f: {  	[sflag:s2] =	ssyncset.done $0x0  }
0xa0: {  	s12 =	sadd.s32 $0x15480, s11;
	[sflag:s2] =	ssyncadd.s32 $0xFFFFC000  }
0xa1: {  	[spmem:s1] =	stream.indirect.scatter.add.f32 [tilespmem:s31], [sflag:$0x4], $0x80, s12, s29, $0xb8;
	[tilespmem:$0x1E800] =	vst v63  }
0xa2: {  	_ =	swait.ge [sflag:s6], $0x4000  }
0xa3: {  	[sflag:s6] =	ssyncset.done $0x0  }
.Ltmp2:
0xa4: {  	s12 =	sadd.s32 $0x14100, s11;
	[sflag:s6] =	ssyncadd.s32 $0xFFFFC000;
	(pc) =	sbr.rel @p0 .LBB2_6-.Ltmp2, $4  }
0xa5: {  	[tilespmem:s20], [sflag:$0x1] =	stream.indirect.gather [hbm4b:s4+s29], $0x80, s12, s29, $0xb8;
	[tilespmem:$0x1E800] =	vst v63  }
0xa6: {  	_ =	swait.ge [sflag:s7], $0x4000  }
0xa7: {  	[sflag:s7] =	ssyncset.done $0x0  }
0xa8: {  	s11 =	sadd.s32 $0x14180, s11;
	[sflag:s7] =	ssyncadd.s32 $0xFFFFC000  }
0xa9: {  	[tilespmem:s31], [sflag:$0x2] =	stream.indirect.gather [hbm4b:s4+s29], $0x80, s11, s29, $0xb8;
	[tilespmem:$0x1E800] =	vst v63  }
0xaa: {  	_ =	swait.ge [sflag:s0], $0x4000  }
0xab: {  	[sflag:s0] =	ssyncset.done $0x0  }
0xac: {  	[sflag:s0] =	ssyncadd.s32 $0xFFFFC000  }
0xad: {  	[spmem:s1] =	stream.indirect.scatter.add.f32 [tilespmem:s20], [sflag:$0x3], $0x80, s8, s29, $0xb8;
	[tilespmem:$0x1E800] =	vst v63  }
0xae: {  	_ =	swait.ge [sflag:s2], $0x4000  }
0xaf: {  	[sflag:s2] =	ssyncset.done $0x0  }
0xb0: {  	[sflag:s2] =	ssyncadd.s32 $0xFFFFC000  }
0xb1: {  	[spmem:s1] =	stream.indirect.scatter.add.f32 [tilespmem:s31], [sflag:$0x4], $0x80, s9, s29, $0xb8;
	[tilespmem:$0x1E800] =	vst v63  }
0xb2: {  	_ =	swait.ge [sflag:s6], $0x4000  }
0xb3: {  	[sflag:s6] =	ssyncset.done $0x0  }
0xb4: {  	[sflag:s6] =	ssyncadd.s32 $0xFFFFC000  }
0xb5: {  	_ =	swait.ge [sflag:s7], $0x4000  }
0xb6: {  	[sflag:s7] =	ssyncset.done $0x0  }
0xb7: {  	s10 =	stileid.u32;
	[sflag:s7] =	ssyncadd.s32 $0xFFFFC000  }
0xb8: {  	s10 =	sshll.u32 s10, $0x6;
	[bflag:$0x0] =	sbarrier.arrive $0xFFFF  }
0xb9: {  	s11 =	sshrl.u32 s5, $0x3;
	s10 =	sor.u32 $0x1C05, s10;
	s12 =	rddreg [dreg:$0x7]  }
0xba: {  	[hbm:s12], [sflag:s10] =	dma.local [spmem:s11], $0x800  }
0xbb: {  	_ =	swait.ge [sflag:s21], $0x800  }
0xbc: {  	[sflag:s21] =	ssyncset.done $0x0  }
0xbd: {  	[sflag:s21] =	ssyncadd.s32 $0xFFFFF800  }
0xbe: {  	[hbm:s16], [sflag:s10] =	dma.local [spmem:s22], $0x800  }
0xbf: {  	_ =	swait.ge [sflag:s21], $0x800  }
0xc0: {  	[sflag:s21] =	ssyncset.done $0x0  }
0xc1: {  	[sflag:s21] =	ssyncadd.s32 $0xFFFFF800  }
0xc2: {  	[hbm:s17], [sflag:s10] =	dma.local [spmem:s23], $0x800  }
0xc3: {  	_ =	swait.ge [sflag:s21], $0x800  }
0xc4: {  	[sflag:s21] =	ssyncset.done $0x0  }
0xc5: {  	[sflag:s21] =	ssyncadd.s32 $0xFFFFF800  }
0xc6: {  	[hbm:s18], [sflag:s10] =	dma.local [spmem:s24], $0x800  }
0xc7: {  	_ =	swait.ge [sflag:s21], $0x800  }
0xc8: {  	[sflag:s21] =	ssyncset.done $0x0  }
0xc9: {  	[sflag:s21] =	ssyncadd.s32 $0xFFFFF800  }
0xca: {  	[hbm:s19], [sflag:s10] =	dma.local [spmem:s25], $0x800  }
0xcb: {  	_ =	swait.ge [sflag:s21], $0x800  }
0xcc: {  	s3 =	sadd.s32 $0x1, s3;
	s12 =	rddreg [dreg:$0x8]  }
0xcd: {  	p0 =	sne.s32 s3, s12  }
.Ltmp3:
0xce: {  	_ = 	snop;
	(pc) =	sbr.rel @p0 .LBB2_1-.Ltmp3, $3  }
0xcf: {  	_ =	sdelay $0x1  }
0xd0: {  	[sflag:s21] =	ssyncset.done $0x0  }
0xd1: {  	[sflag:s21] =	ssyncadd.s32 $0xFFFFF800  }
0xd2: {  	_ =	sfence.sel $0x180000  }
0xd3: {  	[bflag:$0x0] =	sbarrier.arrive $0xFFFF  }
0xd4: {  	_ =	strace $0x9000004A  }
0xd5: {  	s0 =	stileid.u32;
	[bflag:$0x2] =	sbarrier.arrive $0xFFFF  }
0xd6: {  	p0 =	sne.s32 s0, $0x0;
	s0 =	rddreg [dreg:$0x2]  }
0xd7: {  	s0 =	sadd.s32 @!p0 $0x100000, s0  }
0xd8: {  	[sflag:s0] =	ssyncadd.tile.s32 @!p0 $0x1;
	_ =	shalt  }
.Lfunc_end2:
_tile_overlayer_lowered:
.L_overlay_start_2:
0xd9: {  	(tag) =	ssettag $0x2  }
0xda: {  	s0 =	rddreg [dreg:$0x0];
	s2 =	stileid.u32  }
0xdb: {  	s1 =	rddreg [dreg:$0x1];
	p0 =	sne.s32 s2, $0x0  }
0xdc: {  	s3 =	rddreg [dreg:$0x2];
	[bflag:$0x3] =	sbarrier.arrive $0xFFFF;
	s2 =	simm.s32 @!p0 $0x1C05  }
0xdd: {  	[timem:s3], [sflag:s2] =	dma.local @!p0 [hbm:s0], s1  }
0xde: {  	s0 =	simm.s32 @!p0 $0x5  }
0xdf: {  	_ =	swait.ge @!p0 [sflag:s0], s1  }
0xe0: {  	s1 =	ssub.s32 @!p0 $0x0, s1;
	[sflag:s0] =	ssyncset.done @!p0 $0x0  }
0xe1: {  	[sflag:s0] =	ssyncadd.s32 @!p0 s1  }
0xe2: {  	[bflag:$0x3] =	sbarrier.arrive $0xFFFF  }
0xe3: {  	_ =	shalt  }

// kernel: kernel.14.cloned.1.call-start
scs
__scs_entry_jumppad:
0x0: {  	(pc) =	sbr.rel $0x88, $3  }
0x1: {  	(tag) =	ssettag $0x0;
	lr =	simm.s32 $0x1  }
0x2: {  	[smem:$0x3F99] =	sst lr;
	_ =	strace $0xD0000000  }
0x3: {  	_ = 	snop  }
0x4: {  	_ = 	snop  }
0x5: {  	_ = 	snop  }
0x6: {  	_ = 	snop  }
0x7: {  	_ = 	snop  }
__scs_overlays_trampoline_lowered:
0x8: {  	[smem:$0x3FA8] =	sst s0  }
0x9: {  	[smem:$0x3FA9] =	sst s1  }
0xa: {  	[smem:$0x3FAA] =	sst s2  }
0xb: {  	[smem:$0x3FAB] =	sst s3  }
0xc: {  	[smem:$0x3FAC] =	sst s4  }
0xd: {  	[smem:$0x3FAD] =	sst s5  }
0xe: {  	[smem:$0x3FAE] =	sst s6  }
0xf: {  	[smem:$0x3FAF] =	sst s7  }
0x10: {  	[smem:$0x3FB0] =	sst s8  }
0x11: {  	[smem:$0x3FB1] =	sst s9;
	s0 =	simm.s32 @!p0 $0x0  }
0x12: {  	s1 =	sld [smem:$0x3F97];
	s0 =	simm.s32 @p0 $0x1  }
0x13: {  	[smem:$0x3FB2] =	sst s0;
	s0 =	simm.s32 @!p1 $0x0  }
0x14: {  	s2 =	sld [smem:$0x3F96];
	s0 =	simm.s32 @p1 $0x1  }
0x15: {  	[smem:$0x3FB3] =	sst s0;
	s0 =	simm.s32 @!p2 $0x0  }
0x16: {  	s3 =	sld [smem:$0x3FDB];
	s0 =	simm.s32 @p2 $0x1  }
0x17: {  	s4 =	simm.s32 $0x1BF5;
	[smem:$0x3FB5] =	sst s0  }
0x18: {  	s0 =	sld [smem:$0x3F98];
	_ =	swait.ge [sflag:s4], $0x0  }
0x19: {  	s7 =	sld [smem:$0x3F99]  }
0x1a: {  	s8 =	sadd.s32 $0xFFFFE003, lr  }
0x1b: {  	s9 =	sadd.s32 $0xFFFFFEF7, lr;
	s5 =	simm.s32 $0xFFFFFFFF;
	p2 =	slt.u32 s8, $0xFFFFF086  }
0x1c: {  	p1 =	slt.u32 s9, $0xF7A;
	s5 =	simm.s32 @!p2 $0x0  }
0x1d: {  	s5 =	simm.s32 @p1 $0x1;
	p0 =	seq.s32 s7, s2  }
0x1e: {  	s7 =	smul.u32 @!p0 $0xF7A, s2;
	p2 =	seq.s32 @!p0 s5, $0x0  }
0x1f: {  	s9 =	smul.u32 $0xF7A, s1;
	s8 =	simm.s32 @!p0 $0x1BF5;
	p2 =	por !p2, p0  }
0x20: {  	[sflag:s8] =	ssyncset.s32 @!p0 $0xFFFFF086;
	s6 =	sadd.s32 @!p0 s3, s7;
	s7 =	simm.s32 @!p0 $0x108  }
0x21: {  	s3 =	sadd.s32 s3, s9;
	s6 =	sadd.s32 @!p0 $0x88, s6;
	s7 =	simm.s32 @p2 $0x1082  }
0x22: {  	[simem:s7], [sflag:s8] =	dma.local @!p0 [hbm:s6], $0xF7A  }
0x23: {  	s9 =	sor.u32 $0xD0000000, s2;
	s6 =	simm.s32 $0x108;
	_ =	swait.ge @!p0 [sflag:s8], $0x0  }
0x24: {  	s3 =	sadd.s32 $0x88, s3;
	s6 =	simm.s32 @!p1 $0x1082;
	[sflag:s4] =	ssyncset.s32 $0xFFFFF086  }
0x25: {  	[simem:s6], [sflag:s4] =	dma.local [hbm:s3], $0xF7A  }
0x26: {  	[smem:$0x3F99] =	sst s1;
	(tag) =	ssettag s2;
	_ =	strace s9  }
0x27: {  	s1 =	sld [smem:$0x3FA9]  }
0x28: {  	s2 =	sld [smem:$0x3FAA]  }
0x29: {  	s4 =	sld [smem:$0x3FAC]  }
0x2a: {  	p0 =	seq.s32 s5, $0x0;
	s5 =	sld [smem:$0x3FAD]  }
0x2b: {  	s6 =	sld [smem:$0x3FAE]  }
0x2c: {  	s7 =	sld [smem:$0x3FAF]  }
0x2d: {  	s3 =	simm.s32 $0x108;
	s8 =	sld [smem:$0x3FB0]  }
0x2e: {  	s3 =	simm.s32 @!p0 $0x1082;
	s9 =	sld [smem:$0x3FB1]  }
0x2f: {  	lr =	sadd.s32 s0, s3;
	s0 =	sld [smem:$0x3FA8]  }
0x30: {  	s3 =	sld [smem:$0x3FAB]  }
0x31: {  	[smem:$0x3FB4] =	sst s10  }
0x32: {  	s10 =	sld [smem:$0x3FB2];
	_ =	sdelay $0x3  }
0x33: {  	p0 =	seq.s32 s10, $0x1;
	s10 =	sld [smem:$0x3FB4];
	_ =	sdelay $0x3  }
0x34: {  	[smem:$0x3FB4] =	sst s10  }
0x35: {  	s10 =	sld [smem:$0x3FB3];
	_ =	sdelay $0x3  }
0x36: {  	p1 =	seq.s32 s10, $0x1;
	s10 =	sld [smem:$0x3FB4];
	_ =	sdelay $0x3  }
0x37: {  	[smem:$0x3FB4] =	sst s10  }
0x38: {  	s10 =	sld [smem:$0x3FB5]  }
0x39: {  	_ = 	snop;
	(pc) =	sbr.ind lr, $3  }
0x3a: {  	_ = 	snop  }
0x3b: {  	_ = 	snop  }
0x3c: {  	p2 =	seq.s32 s10, $0x1;
	s10 =	sld [smem:$0x3FB4]  }
0x3d: {  	_ =	shalt  }
0x3e: {  	_ =	shalt  }
0x3f: {  	_ =	shalt  }
0x40: {  	_ =	shalt  }
0x41: {  	_ =	shalt  }
0x42: {  	_ =	shalt  }
0x43: {  	_ =	shalt  }
0x44: {  	_ =	shalt  }
0x45: {  	_ =	shalt  }
0x46: {  	_ =	shalt  }
0x47: {  	_ =	shalt  }
0x48: {  	_ =	shalt  }
0x49: {  	_ =	shalt  }
0x4a: {  	_ =	shalt  }
0x4b: {  	_ =	shalt  }
0x4c: {  	_ =	shalt  }
0x4d: {  	_ =	shalt  }
0x4e: {  	_ =	shalt  }
0x4f: {  	_ =	shalt  }
0x50: {  	_ =	shalt  }
0x51: {  	_ =	shalt  }
0x52: {  	_ =	shalt  }
0x53: {  	_ =	shalt  }
0x54: {  	_ =	shalt  }
0x55: {  	_ =	shalt  }
0x56: {  	_ =	shalt  }
0x57: {  	_ =	shalt  }
0x58: {  	_ =	shalt  }
0x59: {  	_ =	shalt  }
0x5a: {  	_ =	shalt  }
0x5b: {  	_ =	shalt  }
0x5c: {  	_ =	shalt  }
0x5d: {  	_ =	shalt  }
0x5e: {  	_ =	shalt  }
0x5f: {  	_ =	shalt  }
0x60: {  	_ =	shalt  }
0x61: {  	_ =	shalt  }
0x62: {  	_ =	shalt  }
0x63: {  	_ =	shalt  }
0x64: {  	_ =	shalt  }
0x65: {  	_ =	shalt  }
0x66: {  	_ =	shalt  }
0x67: {  	_ =	shalt  }
0x68: {  	_ =	shalt  }
0x69: {  	_ =	shalt  }
0x6a: {  	_ =	shalt  }
0x6b: {  	_ =	shalt  }
0x6c: {  	_ =	shalt  }
0x6d: {  	_ =	shalt  }
0x6e: {  	_ =	shalt  }
0x6f: {  	_ =	shalt  }
0x70: {  	_ =	shalt  }
0x71: {  	_ =	shalt  }
0x72: {  	_ =	shalt  }
0x73: {  	_ =	shalt  }
0x74: {  	_ =	shalt  }
0x75: {  	_ =	shalt  }
0x76: {  	_ =	shalt  }
0x77: {  	_ =	shalt  }
0x78: {  	_ =	shalt  }
0x79: {  	_ =	shalt  }
0x7a: {  	_ =	shalt  }
0x7b: {  	_ =	shalt  }
0x7c: {  	_ =	shalt  }
0x7d: {  	_ =	shalt  }
0x7e: {  	_ =	shalt  }
0x7f: {  	_ =	shalt  }
0x80: {  	_ =	shalt  }
0x81: {  	_ =	shalt  }
0x82: {  	_ =	shalt  }
0x83: {  	_ =	shalt  }
0x84: {  	_ =	shalt  }
0x85: {  	_ =	shalt  }
0x86: {  	_ =	shalt  }
0x87: {  	_ =	shalt  }
.Lfunc_end0:
.L_simem_size_0:
called_computation.2_lowered:
.L_overlay_start_0:
0x88: {  	s2 =	sld [smem:$0x3FD9]  }
0x89: {  	s3 =	sld [smem:$0x3FFE];
	_ =	sdelay $0x1  }
0x8a: {  	s1 =	srdreg.scid  }
0x8b: {  	s0 =	sand.u32 $0x1, s1  }
0x8c: {  	s16 =	sshll.u32 s0, $0xA;
	s2 =	sadd.s32 s3, s2  }
0x8d: {  	s2 =	sadd.s32 s2, s16  }
0x8e: {  	[smem:$0x3FC0] =	sst s2  }
0x8f: {  	_ = 	snop  }
0x90: {  	(tm) =	ssettm $0x1  }
0x91: {  	s17 =	sld [smem:$0x3FFB];
	_ =	sdelay $0x3  }
0x92: {  	_ =	strace s17  }
0x93: {  	s2 =	sld [smem:$0x3FFC];
	_ =	sdelay $0x3  }
0x94: {  	_ =	strace s2  }
0x95: {  	s2 =	sld [smem:$0x3FFD];
	_ =	sdelay $0x3  }
0x96: {  	_ =	strace s2  }
0x97: {  	_ =	strace $0x8FFFFFFF  }
0x98: {  	s18 =	sld [smem:$0x3FDB];
	_ =	sdelay $0x1  }
0x99: {  	s19 =	simm.s32 $_scs_section_size  }
0x9a: {  	s4 =	simm.s32 $_size__tile_overlayer_lowered;
	s5 =	simm.s32 $_tile_overlayer_lowered  }
0x9b: {  	s22 =	simm.s32 $0x1BFF;
	s21 =	sshll.u32 s5, $0x1;
	s2 =	sadd.s32 s19, s18  }
0x9c: {  	s6 =	simm.s32 $0x0;
	s20 =	sshll.u32 s4, $0x1;
	s4 =	sadd.s32 s21, s2  }
0x9d: {  	[timem:s6], [sflag:s22] =	dma.local [hbm:s4], s20  }
0x9e: {  	_ =	swait.ge [sflag:s22], s20  }
0x9f: {  	s3 =	ssub.s32 $0x0, s20;
	[sflag:s22] =	ssyncset.done $0x0  }
0xa0: {  	[sflag:s22] =	ssyncadd.s32 s3;
	_ =	sdelay $0x1  }
0xa1: {  	s23 =	simm.s32 $0x1B8B  }
0xa2: {  	_ =	swait.ge [sflag:s23], $0x1  }
0xa3: {  	[sflag:s23] =	ssyncset.done $0x0  }
0xa4: {  	s25 =	simm.s32 $0x1B8E;
	s24 =	sld [smem:$0x3FFE];
	[sflag:s23] =	ssyncadd.s32 $0xFFFFFFFF  }
0xa5: {  	s26 =	simm.s32 $execute0_lowered;
	[smem:$0x3FD2] =	sst s25  }
0xa6: {  	s4 =	sshll.u32 s26, $0x1;
	_ =	strace $0x8000004C;
	[dreg:$0x1] =	wrdreg $0xFFFFFFFF  }
0xa7: {  	s28 =	simm.s32 $_size_execute0_lowered;
	s2 =	sadd.s32 s2, s4;
	[dreg:$0x0] =	wrdreg $0x0  }
0xa8: {  	s4 =	sshll.u32 s28, $0x1;
	[dreg:$0x2] =	wrdreg s2  }
0xa9: {  	[dreg:$0x3] =	wrdreg s4  }
0xaa: {  	[dreg:$0x4] =	wrdreg $0xC0  }
0xab: {  	_ =	task [dreg:s6], $0x5FFFF  }
0xac: {  	[dreg:$0x1] =	wrdreg $0xFFFFFFFF  }
0xad: {  	[dreg:$0x0] =	wrdreg $0x60  }
0xae: {  	[dreg:$0x2] =	wrdreg s24  }
0xaf: {  	[dreg:$0x3] =	wrdreg $0x0  }
0xb0: {  	[dreg:$0x4] =	wrdreg $0x9  }
0xb1: {  	_ =	task.clear_ibuf [dreg:s6], $0x5FFFF;
	_ =	strace $0x9000004C  }
0xb2: {  	s29 =	simm.s32 $0x9;
	_ =	strace $0x8000004E  }
0xb3: {  	_ =	swait.ge [sflag:s29], $0x1  }
0xb4: {  	[sflag:s29] =	ssyncadd.s32 $0xFFFFFFFF  }
0xb5: {  	_ =	strace $0x9000004E  }
0xb6: {  	_ =	sfence  }
0xb7: {  	s30 =	sld [smem:$0x0];
	_ =	sdelay $0x2  }
0xb8: {  	s31 =	sshll.u32 s1, $0xD;
	s1 =	sshrl.u32 s1, $0x2  }
0xb9: {  	s3 =	sand.u32 $0x4000, s31;
	s1 =	sadd.s32 s1, s30  }
0xba: {  	s0 =	sor.u32 s3, s0;
	s1 =	sshll.u32 s1, $0x11  }
0xbb: {  	s0 =	sor.u32 s1, s0  }
0xbc: {  	s0 =	sadd.s32 $0x8F2B, s0  }
0xbd: {  	[sflag:s0] =	ssyncadd.remote.s32 $0x1  }
0xbe: {  	_ =	sfence.sel $0xFFFF  }
0xbf: {  	[dreg:$0x0] =	wrdreg $0xFFFFFFFF;
	(pc) =	sbr.abs _section_cstart, $3  }
0xc0: {  	[dreg:$0x1] =	wrdreg $0xFFFFFFFF  }
0xc1: {  	_ =	task.clear_ibuf [dreg:s6], $0x2FFFF;
	_ =	strace $0x9FFFFFFF  }
0xc2: {  	(tm) =	ssettm $0x7FFFFFFF  }
0xc3: {  	_ =	shalt  }
tec
execute0_lowered:
.L_overlay_start_1:
0x0: {  	(tag) =	ssettag $0x1  }
0x1: {  	s0 =	rddreg [dreg:$0x0]  }
0x2: {  	s1 =	rddreg [dreg:$0x1];
	s2 =	srdreg.scid  }
0x3: {  	s3 =	simm.s32 $0x0;
	s11 =	stileid.u32;
	s28 =	simm.s32 $0x15400  }
0x4: {  	s29 =	simm.s32 $0x80;
	s30 =	simm.s32 $0x14080;
	s31 =	simm.s32 $0x1A800  }
0x5: {  	s2 =	sand.u32 $0x1, s2;
	[smem:$0x7FF] =	sst s3;
	s6 =	smul.u32 $0x50000, s11  }
0x6: {  	s7 =	sadd.s32 $0x2800, s0;
	s8 =	sadd.s32 $0xC800, s0;
	s4 =	sshll.u32 s2, $0x4  }
0x7: {  	_ =	strace $0x8000004D;
	s9 =	ssub.s32 $0x2, s2;
	s2 =	smul.u32 $0x140000, s2  }
0x8: {  	s5 =	sor.u32 s11, s4;
	s4 =	sadd.s32 $0x16800, s0;
	s11 =	smul.u32 $0x14000, s11  }
0x9: {  	s0 =	sadd.s32 $0x3E800, s0;
	s10 =	sshrl.u32 s9, $0x1;
	s6 =	sshrl.u32 s6, $0x2  }
0xa: {  	s5 =	smul.u32 $0x2800, s5;
	s9 =	ssub.s32 s9, s10;
	s14 =	sadd.s32 s2, s11  }
0xb: {  	s16 =	smax.u32 s9, $0x1;
	s18 =	sadd.s32 $0x4000, s11;
	s20 =	sadd.s32 $0x8000, s11  }
0xc: {  	s22 =	sadd.s32 $0xC000, s11;
	s23 =	sadd.s32 $0x10000, s11;
	s9 =	simm.s32 $0x16780  }
0xd: {  	s26 =	sshrl.u32 s5, $0x3;
	s5 =	sadd.s32 s6, s1;
	s6 =	sshrl.u32 s14, $0x3  }
0xe: {  	[dreg:$0x8] =	wrdreg s16;
	s19 =	sadd.s32 s2, s18;
	s21 =	sadd.s32 s2, s20  }
0xf: {  	s24 =	sadd.s32 s2, s22;
	s2 =	sadd.s32 s2, s23;
	s25 =	sadd.s32 s22, s1  }
0x10: {  	s13 =	sadd.s32 s7, s26;
	s12 =	sadd.s32 s8, s26;
	s10 =	sadd.s32 $0x280, s26  }
0x11: {  	s6 =	sadd.s32 s0, s6;
	s17 =	sadd.s32 $0x4000, s5;
	[dreg:$0x3] =	wrdreg s13  }
0x12: {  	s14 =	sadd.s32 $0xC000, s5;
	s2 =	sshrl.u32 s2, $0x3;
	[dreg:$0x4] =	wrdreg s12  }
0x13: {  	s26 =	sadd.s32 s23, s1;
	s7 =	sadd.s32 s7, s10;
	[dreg:$0x7] =	wrdreg s6  }
0x14: {  	s15 =	sadd.s32 s8, s10;
	[dreg:$0x9] =	wrdreg s17;
	s13 =	sadd.s32 $0x8000, s5  }
0x15: {  	s6 =	sadd.s32 s18, s1;
	s8 =	sadd.s32 s20, s1;
	[dreg:$0x5] =	wrdreg s7  }
0x16: {  	s20 =	simm.s32 $0x16800;
	[dreg:$0x6] =	wrdreg s15;
	s15 =	sadd.s32 $0x10000, s5  }
0x17: {  	s7 =	sshrl.u32 s19, $0x3;
	s19 =	sadd.s32 s0, s2;
	s22 =	sshrl.u32 s6, $0x3  }
0x18: {  	s23 =	sshrl.u32 s8, $0x3;
	s2 =	simm.s32 $0x2;
	s6 =	simm.s32 $0x3  }
0x19: {  	s8 =	simm.s32 $0x16700;
	s16 =	sadd.s32 s0, s7;
	s7 =	sshrl.u32 s21, $0x3  }
0x1a: {  	s21 =	simm.s32 $0x5;
	s17 =	sadd.s32 s0, s7;
	s7 =	sshrl.u32 s24, $0x3  }
0x1b: {  	s24 =	sshrl.u32 s25, $0x3;
	s25 =	sshrl.u32 s26, $0x3;
	s26 =	simm.s32 $0x14000  }
0x1c: {  	v0 =	vimm.f32 $0.0e+00;
	s18 =	sadd.s32 s0, s7;
	s0 =	simm.s32 $0x1;
	s7 =	simm.s32 $0x4  }
.LBB2_1:
0x1d: {  	s10 =	simm.s32 $0x0;
	s11 =	simm.s32 $0x200  }
.LBB2_2:
0x1e: {  	p0 =	sne.s32 s11, $0xFE00;
	[tilespmem:s10+$0x16870] =	vst v0  }
0x1f: {  	[tilespmem:s10+$0x16800] =	vst v0  }
0x20: {  	[tilespmem:s10+$0x16810] =	vst v0  }
.Ltmp0:
0x21: {  	[tilespmem:s10+$0x16820] =	vst v0;
	(pc) =	sbr.rel @p0 .LBB2_2-.Ltmp0, $4  }
0x22: {  	[tilespmem:s10+$0x16830] =	vst v0  }
0x23: {  	[tilespmem:s10+$0x16840] =	vst v0  }
0x24: {  	[tilespmem:s10+$0x16850] =	vst v0  }
0x25: {  	[tilespmem:s10+$0x16860] =	vst v0;
	s10 =	sshra.s32 s11, $0x2;
	s11 =	sadd.s32 $0x200, s11  }
0x26: {  	[tilespmem:s10+$0x16870] =	vst v0  }
0x27: {  	[tilespmem:s10+$0x16800] =	vst v0  }
0x28: {  	[tilespmem:s10+$0x16810] =	vst v0  }
0x29: {  	[tilespmem:s10+$0x16820] =	vst v0  }
0x2a: {  	[tilespmem:s10+$0x16830] =	vst v0  }
0x2b: {  	[tilespmem:s10+$0x16840] =	vst v0  }
0x2c: {  	[tilespmem:s10+$0x16850] =	vst v0  }
0x2d: {  	[tilespmem:s10+$0x16860] =	vst v0  }
0x2e: {  	[spmem:s5] =	stream.linear.scatter [tilespmem:s20], [sflag:$0x5], $0x4000, $0x38;
	[tilespmem:$0x1E800] =	vst v63  }
0x2f: {  	_ =	swait.ge [sflag:s21], $0x4000  }
0x30: {  	[sflag:s21] =	ssyncset.done $0x0  }
0x31: {  	s11 =	rddreg [dreg:$0x9];
	[sflag:s21] =	ssyncadd.s32 $0xFFFFC000  }
0x32: {  	[spmem:s11] =	stream.linear.scatter [tilespmem:s20], [sflag:$0x5], $0x4000, $0x38;
	[tilespmem:$0x1E800] =	vst v63  }
0x33: {  	_ =	swait.ge [sflag:s21], $0x4000  }
0x34: {  	[sflag:s21] =	ssyncset.done $0x0  }
0x35: {  	[sflag:s21] =	ssyncadd.s32 $0xFFFFC000  }
0x36: {  	[spmem:s13] =	stream.linear.scatter [tilespmem:s20], [sflag:$0x5], $0x4000, $0x38;
	[tilespmem:$0x1E800] =	vst v63  }
0x37: {  	_ =	swait.ge [sflag:s21], $0x4000  }
0x38: {  	[sflag:s21] =	ssyncset.done $0x0  }
0x39: {  	[sflag:s21] =	ssyncadd.s32 $0xFFFFC000  }
0x3a: {  	[spmem:s14] =	stream.linear.scatter [tilespmem:s20], [sflag:$0x5], $0x4000, $0x38;
	[tilespmem:$0x1E800] =	vst v63  }
0x3b: {  	_ =	swait.ge [sflag:s21], $0x4000  }
0x3c: {  	[sflag:s21] =	ssyncset.done $0x0  }
0x3d: {  	[sflag:s21] =	ssyncadd.s32 $0xFFFFC000  }
0x3e: {  	[spmem:s15] =	stream.linear.scatter [tilespmem:s20], [sflag:$0x5], $0x4000, $0x38;
	[tilespmem:$0x1E800] =	vst v63  }
0x3f: {  	_ =	swait.ge [sflag:s21], $0x4000  }
0x40: {  	[sflag:s21] =	ssyncset.done $0x0  }
0x41: {  	[sflag:s21] =	ssyncadd.s32 $0xFFFFC000  }
0x42: {  	[bflag:$0x0] =	sbarrier.arrive $0xFFFF  }
0x43: {  	s10 =	simm.s32 $0x0;
	s11 =	rddreg [dreg:$0x3]  }
0x44: {  	[tilespmem:s26], [sflag:$0x5] =	stream.linear.gather [hbm4b:s11+s10], $0x1400, $0x38;
	[tilespmem:$0x1E800] =	vst v63  }
0x45: {  	_ =	swait.ge [sflag:s21], $0x1400  }
0x46: {  	[sflag:s21] =	ssyncset.done $0x0  }
0x47: {  	s12 =	rddreg [dreg:$0x4];
	[sflag:s21] =	ssyncadd.s32 $0xFFFFEC00  }
0x48: {  	[tilespmem:s28], [sflag:$0x5] =	stream.linear.gather [hbm4b:s12+s10], $0x1400, $0x38;
	[tilespmem:$0x1E800] =	vst v63  }
0x49: {  	_ =	swait.ge [sflag:s21], $0x1400  }
0x4a: {  	[sflag:s21] =	ssyncset.done $0x0  }
0x4b: {  	[sflag:s21] =	ssyncadd.s32 $0xFFFFEC00  }
0x4c: {  	[tilespmem:s20], [sflag:$0x1] =	stream.indirect.gather [hbm4b:s4+s29], $0x80, s26, s29, $0xb8;
	[tilespmem:$0x1E800] =	vst v63  }
0x4d: {  	_ = 	snop  }
0x4e: {  	[tilespmem:s31], [sflag:$0x2] =	stream.indirect.gather [hbm4b:s4+s29], $0x80, s30, s29, $0xb8;
	[tilespmem:$0x1E800] =	vst v63  }
0x4f: {  	_ =	swait.ge [sflag:s0], $0x4000  }
0x50: {  	[sflag:s0] =	ssyncset.done $0x0  }
0x51: {  	s12 =	simm.s32 $0x15400;
	[sflag:s0] =	ssyncadd.s32 $0xFFFFC000  }
0x52: {  	[spmem:s1] =	stream.indirect.scatter.add.f32 [tilespmem:s20], [sflag:$0x3], $0x80, s12, s29, $0xb8;
	[tilespmem:$0x1E800] =	vst v63  }
0x53: {  	_ =	swait.ge [sflag:s2], $0x4000  }
0x54: {  	[sflag:s2] =	ssyncset.done $0x0  }
0x55: {  	s11 =	simm.s32 $0x15480;
	[sflag:s2] =	ssyncadd.s32 $0xFFFFC000  }
0x56: {  	[spmem:s1] =	stream.indirect.scatter.add.f32 [tilespmem:s31], [sflag:$0x4], $0x80, s11, s29, $0xb8;
	[tilespmem:$0x1E800] =	vst v63  }
0x57: {  	_ =	swait.ge [sflag:s6], $0x4000  }
0x58: {  	[sflag:s6] =	ssyncset.done $0x0  }
0x59: {  	s12 =	simm.s32 $0x14100;
	[sflag:s6] =	ssyncadd.s32 $0xFFFFC000  }
0x5a: {  	[tilespmem:s20], [sflag:$0x1] =	stream.indirect.gather [hbm4b:s4+s29], $0x80, s12, s29, $0xb8;
	[tilespmem:$0x1E800] =	vst v63  }
0x5b: {  	_ =	swait.ge [sflag:s7], $0x4000  }
0x5c: {  	[sflag:s7] =	ssyncset.done $0x0  }
0x5d: {  	s10 =	simm.s32 $0x400;
	s11 =	simm.s32 $0x14180;
	[sflag:s7] =	ssyncadd.s32 $0xFFFFC000  }
.LBB2_4:
0x5e: {  	[tilespmem:s31], [sflag:$0x2] =	stream.indirect.gather [hbm4b:s4+s29], $0x80, s11, s29, $0xb8;
	[tilespmem:$0x1E800] =	vst v63  }
0x5f: {  	s11 =	smov.u32 s10  }
0x60: {  	p0 =	sne.s32 s10, $0x4800;
	s10 =	sadd.s32 $0x400, s10;
	_ =	swait.ge [sflag:s0], $0x4000  }
0x61: {  	s11 =	sshra.s32 s11, $0x2;
	[sflag:s0] =	ssyncset.done $0x0  }
0x62: {  	s12 =	sadd.s32 $0x15400, s11;
	[sflag:s0] =	ssyncadd.s32 $0xFFFFC000  }
0x63: {  	[spmem:s1] =	stream.indirect.scatter.add.f32 [tilespmem:s20], [sflag:$0x3], $0x80, s12, s29, $0xb8;
	[tilespmem:$0x1E800] =	vst v63  }
0x64: {  	_ =	swait.ge [sflag:s2], $0x4000  }
0x65: {  	[sflag:s2] =	ssyncset.done $0x0  }
0x66: {  	s12 =	sadd.s32 $0x15480, s11;
	[sflag:s2] =	ssyncadd.s32 $0xFFFFC000  }
0x67: {  	[spmem:s1] =	stream.indirect.scatter.add.f32 [tilespmem:s31], [sflag:$0x4], $0x80, s12, s29, $0xb8;
	[tilespmem:$0x1E800] =	vst v63  }
0x68: {  	_ =	swait.ge [sflag:s6], $0x4000  }
0x69: {  	[sflag:s6] =	ssyncset.done $0x0  }
.Ltmp1:
0x6a: {  	s12 =	sadd.s32 $0x14100, s11;
	[sflag:s6] =	ssyncadd.s32 $0xFFFFC000;
	(pc) =	sbr.rel @p0 .LBB2_4-.Ltmp1, $4  }
0x6b: {  	[tilespmem:s20], [sflag:$0x1] =	stream.indirect.gather [hbm4b:s4+s29], $0x80, s12, s29, $0xb8;
	[tilespmem:$0x1E800] =	vst v63  }
0x6c: {  	_ =	swait.ge [sflag:s7], $0x4000  }
0x6d: {  	[sflag:s7] =	ssyncset.done $0x0  }
0x6e: {  	s11 =	sadd.s32 $0x14180, s11;
	[sflag:s7] =	ssyncadd.s32 $0xFFFFC000  }
0x6f: {  	[tilespmem:s31], [sflag:$0x2] =	stream.indirect.gather [hbm4b:s4+s29], $0x80, s11, s29, $0xb8;
	[tilespmem:$0x1E800] =	vst v63  }
0x70: {  	_ =	swait.ge [sflag:s0], $0x4000  }
0x71: {  	[sflag:s0] =	ssyncset.done $0x0  }
0x72: {  	[sflag:s0] =	ssyncadd.s32 $0xFFFFC000  }
0x73: {  	[spmem:s1] =	stream.indirect.scatter.add.f32 [tilespmem:s20], [sflag:$0x3], $0x80, s8, s29, $0xb8;
	[tilespmem:$0x1E800] =	vst v63  }
0x74: {  	_ =	swait.ge [sflag:s2], $0x4000  }
0x75: {  	[sflag:s2] =	ssyncset.done $0x0  }
0x76: {  	[sflag:s2] =	ssyncadd.s32 $0xFFFFC000  }
0x77: {  	[spmem:s1] =	stream.indirect.scatter.add.f32 [tilespmem:s31], [sflag:$0x4], $0x80, s9, s29, $0xb8;
	[tilespmem:$0x1E800] =	vst v63  }
0x78: {  	_ =	swait.ge [sflag:s6], $0x4000  }
0x79: {  	[sflag:s6] =	ssyncset.done $0x0  }
0x7a: {  	[sflag:s6] =	ssyncadd.s32 $0xFFFFC000  }
0x7b: {  	_ =	swait.ge [sflag:s7], $0x4000  }
0x7c: {  	[sflag:s7] =	ssyncset.done $0x0  }
0x7d: {  	s10 =	simm.s32 $0x0;
	s12 =	rddreg [dreg:$0x5];
	[sflag:s7] =	ssyncadd.s32 $0xFFFFC000  }
0x7e: {  	[tilespmem:s26], [sflag:$0x5] =	stream.linear.gather [hbm4b:s12+s10], $0x1400, $0x38;
	[tilespmem:$0x1E800] =	vst v63  }
0x7f: {  	_ =	swait.ge [sflag:s21], $0x1400  }
0x80: {  	[sflag:s21] =	ssyncset.done $0x0  }
0x81: {  	s12 =	rddreg [dreg:$0x6];
	[sflag:s21] =	ssyncadd.s32 $0xFFFFEC00  }
0x82: {  	[tilespmem:s28], [sflag:$0x5] =	stream.linear.gather [hbm4b:s12+s10], $0x1400, $0x38;
	[tilespmem:$0x1E800] =	vst v63  }
0x83: {  	_ =	swait.ge [sflag:s21], $0x1400  }
0x84: {  	[sflag:s21] =	ssyncset.done $0x0  }
0x85: {  	[sflag:s21] =	ssyncadd.s32 $0xFFFFEC00  }
0x86: {  	[tilespmem:s20], [sflag:$0x1] =	stream.indirect.gather [hbm4b:s4+s29], $0x80, s26, s29, $0xb8;
	[tilespmem:$0x1E800] =	vst v63  }
0x87: {  	_ = 	snop  }
0x88: {  	[tilespmem:s31], [sflag:$0x2] =	stream.indirect.gather [hbm4b:s4+s29], $0x80, s30, s29, $0xb8;
	[tilespmem:$0x1E800] =	vst v63  }
0x89: {  	_ =	swait.ge [sflag:s0], $0x4000  }
0x8a: {  	[sflag:s0] =	ssyncset.done $0x0  }
0x8b: {  	s12 =	simm.s32 $0x15400;
	[sflag:s0] =	ssyncadd.s32 $0xFFFFC000  }
0x8c: {  	[spmem:s1] =	stream.indirect.scatter.add.f32 [tilespmem:s20], [sflag:$0x3], $0x80, s12, s29, $0xb8;
	[tilespmem:$0x1E800] =	vst v63  }
0x8d: {  	_ =	swait.ge [sflag:s2], $0x4000  }
0x8e: {  	[sflag:s2] =	ssyncset.done $0x0  }
0x8f: {  	s11 =	simm.s32 $0x15480;
	[sflag:s2] =	ssyncadd.s32 $0xFFFFC000  }
0x90: {  	[spmem:s1] =	stream.indirect.scatter.add.f32 [tilespmem:s31], [sflag:$0x4], $0x80, s11, s29, $0xb8;
	[tilespmem:$0x1E800] =	vst v63  }
0x91: {  	_ =	swait.ge [sflag:s6], $0x4000  }
0x92: {  	[sflag:s6] =	ssyncset.done $0x0  }
0x93: {  	s12 =	simm.s32 $0x14100;
	[sflag:s6] =	ssyncadd.s32 $0xFFFFC000  }
0x94: {  	[tilespmem:s20], [sflag:$0x1] =	stream.indirect.gather [hbm4b:s4+s29], $0x80, s12, s29, $0xb8;
	[tilespmem:$0x1E800] =	vst v63  }
0x95: {  	_ =	swait.ge [sflag:s7], $0x4000  }
0x96: {  	[sflag:s7] =	ssyncset.done $0x0  }
0x97: {  	s10 =	simm.s32 $0x400;
	s11 =	simm.s32 $0x14180;
	[sflag:s7] =	ssyncadd.s32 $0xFFFFC000  }
.LBB2_6:
0x98: {  	[tilespmem:s31], [sflag:$0x2] =	stream.indirect.gather [hbm4b:s4+s29], $0x80, s11, s29, $0xb8;
	[tilespmem:$0x1E800] =	vst v63  }
0x99: {  	s11 =	smov.u32 s10  }
0x9a: {  	p0 =	sne.s32 s10, $0x4800;
	s10 =	sadd.s32 $0x400, s10;
	_ =	swait.ge [sflag:s0], $0x4000  }
0x9b: {  	s11 =	sshra.s32 s11, $0x2;
	[sflag:s0] =	ssyncset.done $0x0  }
0x9c: {  	s12 =	sadd.s32 $0x15400, s11;
	[sflag:s0] =	ssyncadd.s32 $0xFFFFC000  }
0x9d: {  	[spmem:s1] =	stream.indirect.scatter.add.f32 [tilespmem:s20], [sflag:$0x3], $0x80, s12, s29, $0xb8;
	[tilespmem:$0x1E800] =	vst v63  }
0x9e: {  	_ =	swait.ge [sflag:s2], $0x4000  }
0x9f: {  	[sflag:s2] =	ssyncset.done $0x0  }
0xa0: {  	s12 =	sadd.s32 $0x15480, s11;
	[sflag:s2] =	ssyncadd.s32 $0xFFFFC000  }
0xa1: {  	[spmem:s1] =	stream.indirect.scatter.add.f32 [tilespmem:s31], [sflag:$0x4], $0x80, s12, s29, $0xb8;
	[tilespmem:$0x1E800] =	vst v63  }
0xa2: {  	_ =	swait.ge [sflag:s6], $0x4000  }
0xa3: {  	[sflag:s6] =	ssyncset.done $0x0  }
.Ltmp2:
0xa4: {  	s12 =	sadd.s32 $0x14100, s11;
	[sflag:s6] =	ssyncadd.s32 $0xFFFFC000;
	(pc) =	sbr.rel @p0 .LBB2_6-.Ltmp2, $4  }
0xa5: {  	[tilespmem:s20], [sflag:$0x1] =	stream.indirect.gather [hbm4b:s4+s29], $0x80, s12, s29, $0xb8;
	[tilespmem:$0x1E800] =	vst v63  }
0xa6: {  	_ =	swait.ge [sflag:s7], $0x4000  }
0xa7: {  	[sflag:s7] =	ssyncset.done $0x0  }
0xa8: {  	s11 =	sadd.s32 $0x14180, s11;
	[sflag:s7] =	ssyncadd.s32 $0xFFFFC000  }
0xa9: {  	[tilespmem:s31], [sflag:$0x2] =	stream.indirect.gather [hbm4b:s4+s29], $0x80, s11, s29, $0xb8;
	[tilespmem:$0x1E800] =	vst v63  }
0xaa: {  	_ =	swait.ge [sflag:s0], $0x4000  }
0xab: {  	[sflag:s0] =	ssyncset.done $0x0  }
0xac: {  	[sflag:s0] =	ssyncadd.s32 $0xFFFFC000  }
0xad: {  	[spmem:s1] =	stream.indirect.scatter.add.f32 [tilespmem:s20], [sflag:$0x3], $0x80, s8, s29, $0xb8;
	[tilespmem:$0x1E800] =	vst v63  }
0xae: {  	_ =	swait.ge [sflag:s2], $0x4000  }
0xaf: {  	[sflag:s2] =	ssyncset.done $0x0  }
0xb0: {  	[sflag:s2] =	ssyncadd.s32 $0xFFFFC000  }
0xb1: {  	[spmem:s1] =	stream.indirect.scatter.add.f32 [tilespmem:s31], [sflag:$0x4], $0x80, s9, s29, $0xb8;
	[tilespmem:$0x1E800] =	vst v63  }
0xb2: {  	_ =	swait.ge [sflag:s6], $0x4000  }
0xb3: {  	[sflag:s6] =	ssyncset.done $0x0  }
0xb4: {  	[sflag:s6] =	ssyncadd.s32 $0xFFFFC000  }
0xb5: {  	_ =	swait.ge [sflag:s7], $0x4000  }
0xb6: {  	[sflag:s7] =	ssyncset.done $0x0  }
0xb7: {  	s10 =	stileid.u32;
	[sflag:s7] =	ssyncadd.s32 $0xFFFFC000  }
0xb8: {  	s10 =	sshll.u32 s10, $0x6;
	[bflag:$0x0] =	sbarrier.arrive $0xFFFF  }
0xb9: {  	s11 =	sshrl.u32 s5, $0x3;
	s10 =	sor.u32 $0x1C05, s10;
	s12 =	rddreg [dreg:$0x7]  }
0xba: {  	[hbm:s12], [sflag:s10] =	dma.local [spmem:s11], $0x800  }
0xbb: {  	_ =	swait.ge [sflag:s21], $0x800  }
0xbc: {  	[sflag:s21] =	ssyncset.done $0x0  }
0xbd: {  	[sflag:s21] =	ssyncadd.s32 $0xFFFFF800  }
0xbe: {  	[hbm:s16], [sflag:s10] =	dma.local [spmem:s22], $0x800  }
0xbf: {  	_ =	swait.ge [sflag:s21], $0x800  }
0xc0: {  	[sflag:s21] =	ssyncset.done $0x0  }
0xc1: {  	[sflag:s21] =	ssyncadd.s32 $0xFFFFF800  }
0xc2: {  	[hbm:s17], [sflag:s10] =	dma.local [spmem:s23], $0x800  }
0xc3: {  	_ =	swait.ge [sflag:s21], $0x800  }
0xc4: {  	[sflag:s21] =	ssyncset.done $0x0  }
0xc5: {  	[sflag:s21] =	ssyncadd.s32 $0xFFFFF800  }
0xc6: {  	[hbm:s18], [sflag:s10] =	dma.local [spmem:s24], $0x800  }
0xc7: {  	_ =	swait.ge [sflag:s21], $0x800  }
0xc8: {  	[sflag:s21] =	ssyncset.done $0x0  }
0xc9: {  	[sflag:s21] =	ssyncadd.s32 $0xFFFFF800  }
0xca: {  	[hbm:s19], [sflag:s10] =	dma.local [spmem:s25], $0x800  }
0xcb: {  	_ =	swait.ge [sflag:s21], $0x800  }
0xcc: {  	s3 =	sadd.s32 $0x1, s3;
	s12 =	rddreg [dreg:$0x8]  }
0xcd: {  	p0 =	sne.s32 s3, s12  }
.Ltmp3:
0xce: {  	_ = 	snop;
	(pc) =	sbr.rel @p0 .LBB2_1-.Ltmp3, $3  }
0xcf: {  	_ =	sdelay $0x1  }
0xd0: {  	[sflag:s21] =	ssyncset.done $0x0  }
0xd1: {  	[sflag:s21] =	ssyncadd.s32 $0xFFFFF800  }
0xd2: {  	_ =	sfence.sel $0x180000  }
0xd3: {  	[bflag:$0x0] =	sbarrier.arrive $0xFFFF  }
0xd4: {  	_ =	strace $0x9000004D  }
0xd5: {  	s0 =	stileid.u32;
	[bflag:$0x2] =	sbarrier.arrive $0xFFFF  }
0xd6: {  	p0 =	sne.s32 s0, $0x0;
	s0 =	rddreg [dreg:$0x2]  }
0xd7: {  	s0 =	sadd.s32 @!p0 $0x100000, s0  }
0xd8: {  	[sflag:s0] =	ssyncadd.tile.s32 @!p0 $0x1;
	_ =	shalt  }
.Lfunc_end2:
_tile_overlayer_lowered:
.L_overlay_start_2:
0xd9: {  	(tag) =	ssettag $0x2  }
0xda: {  	s0 =	rddreg [dreg:$0x0];
	s2 =	stileid.u32  }
0xdb: {  	s1 =	rddreg [dreg:$0x1];
	p0 =	sne.s32 s2, $0x0  }
0xdc: {  	s3 =	rddreg [dreg:$0x2];
	[bflag:$0x3] =	sbarrier.arrive $0xFFFF;
	s2 =	simm.s32 @!p0 $0x1C05  }
0xdd: {  	[timem:s3], [sflag:s2] =	dma.local @!p0 [hbm:s0], s1  }
0xde: {  	s0 =	simm.s32 @!p0 $0x5  }
0xdf: {  	_ =	swait.ge @!p0 [sflag:s0], s1  }
0xe0: {  	s1 =	ssub.s32 @!p0 $0x0, s1;
	[sflag:s0] =	ssyncset.done @!p0 $0x0  }
0xe1: {  	[sflag:s0] =	ssyncadd.s32 @!p0 s1  }
0xe2: {  	[bflag:$0x3] =	sbarrier.arrive $0xFFFF  }
0xe3: {  	_ =	shalt  }

// kernel: kernel.8.cloned.1.call-start
scs
__scs_entry_jumppad:
0x0: {  	(pc) =	sbr.rel $0x88, $3  }
0x1: {  	(tag) =	ssettag $0x0;
	lr =	simm.s32 $0x1  }
0x2: {  	[smem:$0x3F99] =	sst lr;
	_ =	strace $0xD0000000  }
0x3: {  	_ = 	snop  }
0x4: {  	_ = 	snop  }
0x5: {  	_ = 	snop  }
0x6: {  	_ = 	snop  }
0x7: {  	_ = 	snop  }
__scs_overlays_trampoline_lowered:
0x8: {  	[smem:$0x3FA8] =	sst s0  }
0x9: {  	[smem:$0x3FA9] =	sst s1  }
0xa: {  	[smem:$0x3FAA] =	sst s2  }
0xb: {  	[smem:$0x3FAB] =	sst s3  }
0xc: {  	[smem:$0x3FAC] =	sst s4  }
0xd: {  	[smem:$0x3FAD] =	sst s5  }
0xe: {  	[smem:$0x3FAE] =	sst s6  }
0xf: {  	[smem:$0x3FAF] =	sst s7  }
0x10: {  	[smem:$0x3FB0] =	sst s8  }
0x11: {  	[smem:$0x3FB1] =	sst s9;
	s0 =	simm.s32 @!p0 $0x0  }
0x12: {  	s1 =	sld [smem:$0x3F97];
	s0 =	simm.s32 @p0 $0x1  }
0x13: {  	[smem:$0x3FB2] =	sst s0;
	s0 =	simm.s32 @!p1 $0x0  }
0x14: {  	s2 =	sld [smem:$0x3F96];
	s0 =	simm.s32 @p1 $0x1  }
0x15: {  	[smem:$0x3FB3] =	sst s0;
	s0 =	simm.s32 @!p2 $0x0  }
0x16: {  	s3 =	sld [smem:$0x3FDB];
	s0 =	simm.s32 @p2 $0x1  }
0x17: {  	s4 =	simm.s32 $0x1BF5;
	[smem:$0x3FB5] =	sst s0  }
0x18: {  	s0 =	sld [smem:$0x3F98];
	_ =	swait.ge [sflag:s4], $0x0  }
0x19: {  	s7 =	sld [smem:$0x3F99]  }
0x1a: {  	s8 =	sadd.s32 $0xFFFFE003, lr  }
0x1b: {  	s9 =	sadd.s32 $0xFFFFFEF7, lr;
	s5 =	simm.s32 $0xFFFFFFFF;
	p2 =	slt.u32 s8, $0xFFFFF086  }
0x1c: {  	p1 =	slt.u32 s9, $0xF7A;
	s5 =	simm.s32 @!p2 $0x0  }
0x1d: {  	s5 =	simm.s32 @p1 $0x1;
	p0 =	seq.s32 s7, s2  }
0x1e: {  	s7 =	smul.u32 @!p0 $0xF7A, s2;
	p2 =	seq.s32 @!p0 s5, $0x0  }
0x1f: {  	s9 =	smul.u32 $0xF7A, s1;
	s8 =	simm.s32 @!p0 $0x1BF5;
	p2 =	por !p2, p0  }
0x20: {  	[sflag:s8] =	ssyncset.s32 @!p0 $0xFFFFF086;
	s6 =	sadd.s32 @!p0 s3, s7;
	s7 =	simm.s32 @!p0 $0x108  }
0x21: {  	s3 =	sadd.s32 s3, s9;
	s6 =	sadd.s32 @!p0 $0x88, s6;
	s7 =	simm.s32 @p2 $0x1082  }
0x22: {  	[simem:s7], [sflag:s8] =	dma.local @!p0 [hbm:s6], $0xF7A  }
0x23: {  	s9 =	sor.u32 $0xD0000000, s2;
	s6 =	simm.s32 $0x108;
	_ =	swait.ge @!p0 [sflag:s8], $0x0  }
0x24: {  	s3 =	sadd.s32 $0x88, s3;
	s6 =	simm.s32 @!p1 $0x1082;
	[sflag:s4] =	ssyncset.s32 $0xFFFFF086  }
0x25: {  	[simem:s6], [sflag:s4] =	dma.local [hbm:s3], $0xF7A  }
0x26: {  	[smem:$0x3F99] =	sst s1;
	(tag) =	ssettag s2;
	_ =	strace s9  }
0x27: {  	s1 =	sld [smem:$0x3FA9]  }
0x28: {  	s2 =	sld [smem:$0x3FAA]  }
0x29: {  	s4 =	sld [smem:$0x3FAC]  }
0x2a: {  	p0 =	seq.s32 s5, $0x0;
	s5 =	sld [smem:$0x3FAD]  }
0x2b: {  	s6 =	sld [smem:$0x3FAE]  }
0x2c: {  	s7 =	sld [smem:$0x3FAF]  }
0x2d: {  	s3 =	simm.s32 $0x108;
	s8 =	sld [smem:$0x3FB0]  }
0x2e: {  	s3 =	simm.s32 @!p0 $0x1082;
	s9 =	sld [smem:$0x3FB1]  }
0x2f: {  	lr =	sadd.s32 s0, s3;
	s0 =	sld [smem:$0x3FA8]  }
0x30: {  	s3 =	sld [smem:$0x3FAB]  }
0x31: {  	[smem:$0x3FB4] =	sst s10  }
0x32: {  	s10 =	sld [smem:$0x3FB2];
	_ =	sdelay $0x3  }
0x33: {  	p0 =	seq.s32 s10, $0x1;
	s10 =	sld [smem:$0x3FB4];
	_ =	sdelay $0x3  }
0x34: {  	[smem:$0x3FB4] =	sst s10  }
0x35: {  	s10 =	sld [smem:$0x3FB3];
	_ =	sdelay $0x3  }
0x36: {  	p1 =	seq.s32 s10, $0x1;
	s10 =	sld [smem:$0x3FB4];
	_ =	sdelay $0x3  }
0x37: {  	[smem:$0x3FB4] =	sst s10  }
0x38: {  	s10 =	sld [smem:$0x3FB5]  }
0x39: {  	_ = 	snop;
	(pc) =	sbr.ind lr, $3  }
0x3a: {  	_ = 	snop  }
0x3b: {  	_ = 	snop  }
0x3c: {  	p2 =	seq.s32 s10, $0x1;
	s10 =	sld [smem:$0x3FB4]  }
0x3d: {  	_ =	shalt  }
0x3e: {  	_ =	shalt  }
0x3f: {  	_ =	shalt  }
0x40: {  	_ =	shalt  }
0x41: {  	_ =	shalt  }
0x42: {  	_ =	shalt  }
0x43: {  	_ =	shalt  }
0x44: {  	_ =	shalt  }
0x45: {  	_ =	shalt  }
0x46: {  	_ =	shalt  }
0x47: {  	_ =	shalt  }
0x48: {  	_ =	shalt  }
0x49: {  	_ =	shalt  }
0x4a: {  	_ =	shalt  }
0x4b: {  	_ =	shalt  }
0x4c: {  	_ =	shalt  }
0x4d: {  	_ =	shalt  }
0x4e: {  	_ =	shalt  }
0x4f: {  	_ =	shalt  }
0x50: {  	_ =	shalt  }
0x51: {  	_ =	shalt  }
0x52: {  	_ =	shalt  }
0x53: {  	_ =	shalt  }
0x54: {  	_ =	shalt  }
0x55: {  	_ =	shalt  }
0x56: {  	_ =	shalt  }
0x57: {  	_ =	shalt  }
0x58: {  	_ =	shalt  }
0x59: {  	_ =	shalt  }
0x5a: {  	_ =	shalt  }
0x5b: {  	_ =	shalt  }
0x5c: {  	_ =	shalt  }
0x5d: {  	_ =	shalt  }
0x5e: {  	_ =	shalt  }
0x5f: {  	_ =	shalt  }
0x60: {  	_ =	shalt  }
0x61: {  	_ =	shalt  }
0x62: {  	_ =	shalt  }
0x63: {  	_ =	shalt  }
0x64: {  	_ =	shalt  }
0x65: {  	_ =	shalt  }
0x66: {  	_ =	shalt  }
0x67: {  	_ =	shalt  }
0x68: {  	_ =	shalt  }
0x69: {  	_ =	shalt  }
0x6a: {  	_ =	shalt  }
0x6b: {  	_ =	shalt  }
0x6c: {  	_ =	shalt  }
0x6d: {  	_ =	shalt  }
0x6e: {  	_ =	shalt  }
0x6f: {  	_ =	shalt  }
0x70: {  	_ =	shalt  }
0x71: {  	_ =	shalt  }
0x72: {  	_ =	shalt  }
0x73: {  	_ =	shalt  }
0x74: {  	_ =	shalt  }
0x75: {  	_ =	shalt  }
0x76: {  	_ =	shalt  }
0x77: {  	_ =	shalt  }
0x78: {  	_ =	shalt  }
0x79: {  	_ =	shalt  }
0x7a: {  	_ =	shalt  }
0x7b: {  	_ =	shalt  }
0x7c: {  	_ =	shalt  }
0x7d: {  	_ =	shalt  }
0x7e: {  	_ =	shalt  }
0x7f: {  	_ =	shalt  }
0x80: {  	_ =	shalt  }
0x81: {  	_ =	shalt  }
0x82: {  	_ =	shalt  }
0x83: {  	_ =	shalt  }
0x84: {  	_ =	shalt  }
0x85: {  	_ =	shalt  }
0x86: {  	_ =	shalt  }
0x87: {  	_ =	shalt  }
.Lfunc_end0:
.L_simem_size_0:
called_computation_lowered:
.L_overlay_start_0:
0x88: {  	s2 =	sld [smem:$0x3FD9]  }
0x89: {  	s3 =	sld [smem:$0x3FFE];
	_ =	sdelay $0x1  }
0x8a: {  	s1 =	srdreg.scid  }
0x8b: {  	s0 =	sand.u32 $0x1, s1  }
0x8c: {  	s17 =	sshll.u32 s0, $0xA;
	s2 =	sadd.s32 s3, s2  }
0x8d: {  	s2 =	sadd.s32 s2, s17  }
0x8e: {  	[smem:$0x3FC0] =	sst s2  }
0x8f: {  	_ = 	snop  }
0x90: {  	s2 =	sld [smem:$0x3FD0];
	(tm) =	ssettm $0x1  }
0x91: {  	s18 =	sld [smem:$0x3FFB];
	_ =	sdelay $0x3  }
0x92: {  	_ =	strace s18  }
0x93: {  	s3 =	sld [smem:$0x3FFC];
	_ =	sdelay $0x3  }
0x94: {  	_ =	strace s3  }
0x95: {  	s3 =	sld [smem:$0x3FFD];
	_ =	sdelay $0x3  }
0x96: {  	_ =	strace s3  }
0x97: {  	_ =	strace $0x8FFFFFFF  }
0x98: {  	s19 =	sld [smem:$0x3FDB];
	_ =	sdelay $0x1  }
0x99: {  	s4 =	simm.s32 $_scs_section_size  }
0x9a: {  	s5 =	simm.s32 $_size__tile_overlayer_lowered;
	s6 =	simm.s32 $_tile_overlayer_lowered  }
0x9b: {  	s22 =	simm.s32 $0x1BFF;
	s21 =	sshll.u32 s6, $0x1;
	s3 =	sadd.s32 s4, s19  }
0x9c: {  	s7 =	simm.s32 $0x0;
	s20 =	sshll.u32 s5, $0x1;
	s5 =	sadd.s32 s21, s3  }
0x9d: {  	[timem:s7], [sflag:s22] =	dma.local [hbm:s5], s20  }
0x9e: {  	_ =	swait.ge [sflag:s22], s20  }
0x9f: {  	s4 =	ssub.s32 $0x0, s20;
	[sflag:s22] =	ssyncset.done $0x0  }
0xa0: {  	[sflag:s22] =	ssyncadd.s32 s4;
	_ =	sdelay $0x1  }
0xa1: {  	s23 =	simm.s32 $0x1B8B  }
0xa2: {  	_ =	swait.ge [sflag:s23], $0x1  }
0xa3: {  	[sflag:s23] =	ssyncset.done $0x0  }
0xa4: {  	s25 =	simm.s32 $0x1B8E;
	s24 =	sld [smem:$0x3FFE];
	[sflag:s23] =	ssyncadd.s32 $0xFFFFFFFF  }
0xa5: {  	s26 =	simm.s32 $execute0_lowered;
	[smem:$0x3FD2] =	sst s25  }
0xa6: {  	s5 =	sshll.u32 s26, $0x1;
	_ =	strace $0x80000046;
	[dreg:$0x1] =	wrdreg $0xFFFFFFFF  }
0xa7: {  	s28 =	simm.s32 $_size_execute0_lowered;
	s3 =	sadd.s32 s3, s5;
	[dreg:$0x0] =	wrdreg $0x0  }
0xa8: {  	s5 =	sshll.u32 s28, $0x1;
	[dreg:$0x2] =	wrdreg s3  }
0xa9: {  	[dreg:$0x3] =	wrdreg s5  }
0xaa: {  	[dreg:$0x4] =	wrdreg $0xC0  }
0xab: {  	_ =	task [dreg:s7], $0x5FFFF  }
0xac: {  	[dreg:$0x1] =	wrdreg $0xFFFFFFFF  }
0xad: {  	[dreg:$0x0] =	wrdreg $0x60  }
0xae: {  	[dreg:$0x2] =	wrdreg s2  }
0xaf: {  	[dreg:$0x3] =	wrdreg s24  }
0xb0: {  	[dreg:$0x4] =	wrdreg $0x9  }
0xb1: {  	_ =	task.clear_ibuf [dreg:s7], $0x5FFFF;
	_ =	strace $0x90000046  }
0xb2: {  	s29 =	simm.s32 $0x9;
	_ =	strace $0x80000048  }
0xb3: {  	_ =	swait.ge [sflag:s29], $0x1  }
0xb4: {  	[sflag:s29] =	ssyncadd.s32 $0xFFFFFFFF  }
0xb5: {  	_ =	strace $0x90000048  }
0xb6: {  	_ =	sfence  }
0xb7: {  	s30 =	sld [smem:$0x0];
	_ =	sdelay $0x2  }
0xb8: {  	s31 =	sshll.u32 s1, $0xD;
	s1 =	sshrl.u32 s1, $0x2  }
0xb9: {  	s3 =	sand.u32 $0x4000, s31;
	s1 =	sadd.s32 s1, s30  }
0xba: {  	s0 =	sor.u32 s3, s0;
	s1 =	sshll.u32 s1, $0x11  }
0xbb: {  	s0 =	sor.u32 s1, s0  }
0xbc: {  	s0 =	sadd.s32 $0x8F2B, s0  }
0xbd: {  	[sflag:s0] =	ssyncadd.remote.s32 $0x1  }
0xbe: {  	_ =	sfence.sel $0xFFFF  }
0xbf: {  	[dreg:$0x0] =	wrdreg $0xFFFFFFFF;
	(pc) =	sbr.abs _section_cstart, $3  }
0xc0: {  	[dreg:$0x1] =	wrdreg $0xFFFFFFFF  }
0xc1: {  	_ =	task.clear_ibuf [dreg:s7], $0x2FFFF;
	_ =	strace $0x9FFFFFFF  }
0xc2: {  	(tm) =	ssettm $0x7FFFFFFF  }
0xc3: {  	_ =	shalt  }
tec
execute0_lowered:
.L_overlay_start_1:
0x0: {  	(tag) =	ssettag $0x1  }
0x1: {  	s5 =	rddreg [dreg:$0x0]  }
0x2: {  	s0 =	srdreg.scid;
	s6 =	rddreg [dreg:$0x1]  }
0x3: {  	s2 =	simm.s32 $0x0;
	s10 =	simm.s32 $0x1;
	s3 =	sand.u32 $0x1, s0  }
0x4: {  	s11 =	simm.s32 $0x2800;
	s0 =	stileid.u32;
	s1 =	sshll.u32 s3, $0x4  }
0x5: {  	s12 =	simm.s32 $0x5000;
	s13 =	simm.s32 $0x7800;
	s4 =	sor.u32 s0, s1  }
0x6: {  	s14 =	simm.s32 $0x100;
	s15 =	simm.s32 $0x0;
	s1 =	sshrl.u32 s4, $0x3  }
0x7: {  	s8 =	sshll.u32 s0, $0x7;
	s3 =	ssub.s32 $0x2, s3;
	s7 =	smul.u32 $0x14000, s1  }
0x8: {  	[smem:$0x7FF] =	sst s2;
	s8 =	sand.u32 $0x380, s8;
	s9 =	sshrl.u32 s3, $0x1  }
0x9: {  	s4 =	smul.u32 $0xA00, s4;
	s9 =	ssub.s32 s3, s9;
	s7 =	sor.u32 s8, s7  }
0xa: {  	s1 =	rddreg [dreg:$0x2];
	_ =	strace $0x80000047;
	s7 =	sshrl.u32 s7, $0x3  }
0xb: {  	s8 =	simm.s32 $0x80;
	s31 =	sadd.s32 s7, s6;
	s6 =	sadd.s32 s4, s6  }
0xc: {  	s3 =	sadd.s32 s5, s7;
	s7 =	smax.u32 s9, $0x1;
	s9 =	simm.s32 $0x400  }
0xd: {  	v0 =	vimm.f32 $0.0e+00;
	v1 =	vimm.f32 $1.000000000e+00;
	s4 =	sadd.s32 $0x16800, s31;
	s5 =	sadd.s32 $0x20800, s6;
	s6 =	sadd.s32 $0x20810, s6  }
.LBB2_1:
0xe: {  	[tilespmem:s2], [sflag:$0x1] =	stream.strided.gather [hbm4b:s3+s8], $0x2800, s9, s8, $0x38;
	[tilespmem:$0xA000] =	vst v63  }
0xf: {  	_ =	swait.ge [sflag:s10], $0x2800  }
0x10: {  	[sflag:s10] =	ssyncset.done $0x0  }
0x11: {  	[sflag:s10] =	ssyncadd.s32 $0xFFFFD800  }
0x12: {  	[tilespmem:s11], [sflag:$0x1] =	stream.strided.gather [hbm4b:s4+s8], $0x2800, s9, s8, $0x38;
	[tilespmem:$0xA000] =	vst v63  }
0x13: {  	_ =	swait.ge [sflag:s10], $0x2800  }
0x14: {  	[sflag:s10] =	ssyncset.done $0x0  }
0x15: {  	s16 =	simm.s32 $0x0;
	[sflag:s10] =	ssyncadd.s32 $0xFFFFD800  }
.LBB2_2:
0x16: {  	p0 =	sne.s32 s16, $0x9FC0  }
.Ltmp0:
0x17: {  	_ = 	snop;
	(pc) =	sbr.rel @p0 .LBB2_2-.Ltmp0, $4  }
0x18: {  	_ = 	snop  }
0x19: {  	s17 =	sshra.s32 s16, $0x2  }
0x1a: {  	[tilespmem:s17+$0x5000] =	vst v0  }
0x1b: {  	s16 =	sadd.s32 $0x40, s16;
	[tilespmem:s17+$0x7800] =	vst v0  }
0x1c: {  	s17 =	simm.s32 $0x0;
	s16 =	simm.s32 $0x40  }
.LBB2_4:
0x1d: {  	p0 =	sne.s32 s16, $0x9FC0;
	v2 =	vld [tilespmem:s17+$0x0];
	_ =	sdelay $0x7  }
0x1e: {  	[tilespmem:v2+s12+$0x0] =	vst.idx.add.f32.msk $0xffff, v1  }
0x1f: {  	v2 =	vld [tilespmem:s17+$0x2800];
	_ =	sdelay $0x3  }
.Ltmp1:
0x20: {  	(pc) =	sbr.rel @p0 .LBB2_4-.Ltmp1, $2  }
0x21: {  	_ =	sdelay $0x2  }
0x22: {  	s17 =	sshra.s32 s16, $0x2;
	s16 =	sadd.s32 $0x40, s16;
	[tilespmem:v2+s13+$0x0] =	vst.idx.add.f32.msk $0xffff, v1  }
0x23: {  	v2 =	vld [tilespmem:s17+$0x0];
	_ =	sdelay $0x7  }
0x24: {  	[tilespmem:v2+s12+$0x0] =	vst.idx.add.f32.msk $0xffff, v1  }
0x25: {  	v2 =	vld [tilespmem:s17+$0x2800];
	_ =	sdelay $0x7  }
0x26: {  	[tilespmem:v2+s13+$0x0] =	vst.idx.add.f32.msk $0xffff, v1  }
0x27: {  	[hbm4b:s5+s8] =	stream.strided.scatter [tilespmem:s12], [sflag:$0x1], $0x2800, s14, s8, $0x38;
	[tilespmem:$0xA000] =	vst v63  }
0x28: {  	s15 =	sadd.s32 $0x1, s15;
	_ =	swait.ge [sflag:s10], $0x2800  }
0x29: {  	p0 =	sne.s32 s15, s7;
	[sflag:s10] =	ssyncset.done $0x0  }
.Ltmp2:
0x2a: {  	[sflag:s10] =	ssyncadd.s32 $0xFFFFD800;
	(pc) =	sbr.rel @p0 .LBB2_1-.Ltmp2, $4  }
0x2b: {  	[hbm4b:s6+s8] =	stream.strided.scatter [tilespmem:s13], [sflag:$0x1], $0x2800, s14, s8, $0x38;
	[tilespmem:$0xA000] =	vst v63  }
0x2c: {  	_ =	swait.ge [sflag:s10], $0x2800  }
0x2d: {  	[sflag:s10] =	ssyncset.done $0x0  }
0x2e: {  	[sflag:s10] =	ssyncadd.s32 $0xFFFFD800  }
0x2f: {  	_ =	sfence.sel $0x180000  }
0x30: {  	[bflag:$0x0] =	sbarrier.arrive $0xFFFF  }
0x31: {  	p0 =	sne.s32 s0, $0x0;
	_ =	strace $0x90000047  }
0x32: {  	s0 =	sadd.s32 @!p0 $0x100000, s1;
	[bflag:$0x2] =	sbarrier.arrive $0xFFFF  }
0x33: {  	[sflag:s0] =	ssyncadd.tile.s32 @!p0 $0x1;
	_ =	shalt  }
.Lfunc_end2:
_tile_overlayer_lowered:
.L_overlay_start_2:
0x34: {  	(tag) =	ssettag $0x2  }
0x35: {  	s0 =	rddreg [dreg:$0x0];
	s2 =	stileid.u32  }
0x36: {  	s1 =	rddreg [dreg:$0x1];
	p0 =	sne.s32 s2, $0x0  }
0x37: {  	s3 =	rddreg [dreg:$0x2];
	[bflag:$0x3] =	sbarrier.arrive $0xFFFF;
	s2 =	simm.s32 @!p0 $0x1C01  }
0x38: {  	[timem:s3], [sflag:s2] =	dma.local @!p0 [hbm:s0], s1  }
0x39: {  	s0 =	simm.s32 @!p0 $0x1  }
0x3a: {  	_ =	swait.ge @!p0 [sflag:s0], s1  }
0x3b: {  	s1 =	ssub.s32 @!p0 $0x0, s1;
	[sflag:s0] =	ssyncset.done @!p0 $0x0  }
0x3c: {  	[sflag:s0] =	ssyncadd.s32 @!p0 s1  }
0x3d: {  	[bflag:$0x3] =	sbarrier.arrive $0xFFFF  }
0x3e: {  	_ =	shalt  }

</sc_bundles>
